<compile_context>
chip_gen: v7x
topology: tpu7x:2x2x1
jax: 0.10.2.dev20260603
libtpu: 0.0.44.dev20260713+nightly
codegen_flags: <defaults>
</compile_context>

<pallas_src>
import functools

import jax
import jax.numpy as jnp
from jax import lax
from jax.experimental import pallas as pl
from jax.experimental.pallas import tpu as pltpu
from jax.experimental.pallas import tpu_sc as plsc

N = 10000
E = 160000
C = 16
NB = 16
CHUNK = 128
NCHUNKS = E // CHUNK
NWORKERS = 32
STEPS = -(-NCHUNKS // NWORKERS)
NP8 = N // 8
EP8 = E // 8

_mesh = plsc.VectorSubcoreMesh(core_axis_name="c", subcore_axis_name="s")
_sc_params = pltpu.CompilerParams(use_tc_tiling_on_sc=False)


def _tc1_body(p1, p3r, Wp1, bp1, WA, cA, WB, Wp3, bp3,
              p1n, An, Bn, p3n):
    x = p1[...]
    f32 = jnp.float32
    p1n[...] = jnp.dot(x, Wp1[...], preferred_element_type=f32) + bp1[...]
    An[...] = jnp.dot(x, WA[...], preferred_element_type=f32) + cA[...]
    Bn[...] = jnp.dot(x, WB[...], preferred_element_type=f32)
    p3n[...] = jnp.dot(p3r[...], Wp3[...], preferred_element_type=f32) + bp3[...]


@functools.partial(
    pl.kernel,
    out_type=(jax.ShapeDtypeStruct((E, C), jnp.float32),
              jax.ShapeDtypeStruct((E, C), jnp.float32),
              jax.ShapeDtypeStruct((E, 3 * C), jnp.float32)),
    mesh=_mesh,
    scratch_types=[pltpu.VMEM((CHUNK,), jnp.int32),
                   pltpu.VMEM((CHUNK,), jnp.int32),
                   pltpu.VMEM((CHUNK, C), jnp.float32),
                   pltpu.VMEM((CHUNK, C), jnp.float32),
                   pltpu.VMEM((CHUNK, 3 * C), jnp.float32),
                   pltpu.SemaphoreType.DMA,
                   pltpu.SemaphoreType.DMA,
                   pltpu.SemaphoreType.DMA],
    compiler_params=_sc_params,
)
def _sc1_gather(An, Bn, p3n, ii2, ij2, gA, gB, g3,
                ivi, ivj, bA, bB, b3, s1, s2, s3):
    wid = lax.axis_index("s") * 2 + lax.axis_index("c")

    def step(k, carry):
        c = wid + NWORKERS * k

        @pl.when(c < NCHUNKS)
        def _():
            pltpu.sync_copy(ii2.at[c], ivi)
            pltpu.sync_copy(ij2.at[c], ivj)
            d1 = pltpu.async_copy(An.at[ivi], bA, s1)
            d2 = pltpu.async_copy(Bn.at[ivj], bB, s2)
            d3 = pltpu.async_copy(p3n.at[ivj], b3, s3)
            d1.wait()
            d2.wait()
            d3.wait()
            pltpu.sync_copy(bA, gA.at[pl.ds(c * CHUNK, CHUNK)])
            pltpu.sync_copy(bB, gB.at[pl.ds(c * CHUNK, CHUNK)])
            pltpu.sync_copy(b3, g3.at[pl.ds(c * CHUNK, CHUNK)])

        return carry

    lax.fori_loop(0, STEPS, step, 0)


def _tc2_body(gA, gB, basis, g3, diffp, W2K, TK, RsK, O1K, T2K, T3K,
              WbdK, Md, b1r, b2r, b3r, bb3r, o1, o3):
    f32 = jnp.float32
    h = gA[...] + gB[...]
    ht = jnp.dot(h, W2K[...], preferred_element_type=f32)
    br = jnp.dot(basis[...], TK[...], preferred_element_type=f32)
    i1 = jnp.dot(ht * br, RsK[...], preferred_element_type=f32)
    o1[...] = jnp.dot(i1, O1K[...], preferred_element_type=f32) + b1r[...]
    i2t = jnp.dot(i1, T2K[...], preferred_element_type=f32) + b2r[...]
    i3t = jnp.dot(i1, T3K[...], preferred_element_type=f32) + b3r[...]
    y = g3[...] * i2t
    dexp = jnp.dot(diffp[...], Md[...], preferred_element_type=f32)
    o3[...] = (jnp.dot(y, WbdK[...], preferred_element_type=f32)
               + dexp * i3t + bb3r[...])


@functools.partial(
    pl.kernel,
    out_type=(jax.ShapeDtypeStruct((2, N, C), jnp.float32),
              jax.ShapeDtypeStruct((2, N, 3 * C), jnp.float32)),
    mesh=_mesh,
    scratch_types=[pltpu.VMEM((CHUNK,), jnp.int32),
                   pltpu.VMEM((CHUNK, C), jnp.float32),
                   pltpu.VMEM((CHUNK, 3 * C), jnp.float32),
                   pltpu.VMEM_SHARED((N, C), jnp.float32),
                   pltpu.VMEM_SHARED((N, 3 * C), jnp.float32),
                   pltpu.SemaphoreType.DMA,
                   pltpu.SemaphoreType.DMA],
    compiler_params=_sc_params,
)
def _sc2_scatter(ii2, e1, e3, z16, z48, o1, o3,
                 iv, b1, b3, acc1, acc3, s1, s2):
    cid = lax.axis_index("c")
    sid = lax.axis_index("s")
    wid = sid * 2 + cid

    @pl.when(sid == 0)
    def _():
        pltpu.sync_copy(z16, acc1)
        pltpu.sync_copy(z48, acc3)

    plsc.subcore_barrier()

    def step(k, carry):
        c = wid + NWORKERS * k

        @pl.when(c < NCHUNKS)
        def _():
            pltpu.sync_copy(ii2.at[c], iv)
            d1 = pltpu.async_copy(e1.at[pl.ds(c * CHUNK, CHUNK)], b1, s1)
            d2 = pltpu.async_copy(e3.at[pl.ds(c * CHUNK, CHUNK)], b3, s2)
            d1.wait()
            d2.wait()
            pltpu.sync_copy(b1, acc1.at[iv], add=True)
            pltpu.sync_copy(b3, acc3.at[iv], add=True)

        return carry

    lax.fori_loop(0, STEPS, step, 0)
    plsc.subcore_barrier()

    @pl.when(sid == 0)
    def _():
        pltpu.sync_copy(acc1, o1.at[cid])
        pltpu.sync_copy(acc3, o3.at[cid])


def _tc3_body(p1n, p3n, a1, a3, T3IK, np1, np3):
    h = p1n.shape[0]
    p1a = p1n[...] + a1[:h] + a1[h:]
    p3a = p3n[...] + a3[:h] + a3[h:]
    np1[...] = p1a + p1a * p1a
    p1a3 = jnp.dot(p1a, T3IK[...], preferred_element_type=jnp.float32)
    np3[...] = p3a * p1a3


def _full_spec(shape):
    return pl.BlockSpec(shape, lambda *_: tuple(0 for _ in shape))


def kernel(p1, p3, p5, idx_i, idx_j, diff, basis,
           pp1_W, pp1_b, pi1_W1, pi1_b1, pi1_W2, ii1_W, ii1_b,
           pp3_W, pp3_b, ii3_W, ii3_b, pp5_W, pp5_b):
    f32 = jnp.float32
    del p5, pp5_W, pp5_b

    I8 = jnp.eye(8, dtype=f32)
    K8 = lambda M: jnp.kron(I8, M)
    tile3 = lambda M: jnp.tile(M, (1, 3))
    W1a, W1b = pi1_W1[:C], pi1_W1[C:]
    c_h = pp1_b @ W1a + pp1_b @ W1b + pi1_b1
    WA = pp1_W @ W1a
    WB = pp1_W @ W1b
    T = jnp.kron(jnp.ones((1, C), f32), jnp.eye(NB, dtype=f32))
    Rs = jnp.kron(jnp.eye(C, dtype=f32), jnp.ones((NB, 1), f32))
    W2K = K8(pi1_W2)
    TK = K8(T)
    RsK = K8(Rs)
    O1K = K8(ii1_W[:, :C])
    T2K = K8(tile3(ii1_W[:, C:2 * C]))
    T3K = K8(tile3(ii1_W[:, 2 * C:3 * C]))
    WbdK = jnp.kron(jnp.eye(24, dtype=f32), ii3_W)
    Md = jnp.kron(jnp.eye(24, dtype=f32), jnp.ones((1, C), f32))
    b1r = jnp.tile(ii1_b[:C], 8)[None]
    b2r = jnp.tile(jnp.tile(ii1_b[C:2 * C], 3), 8)[None]
    b3r = jnp.tile(jnp.tile(ii1_b[2 * C:3 * C], 3), 8)[None]
    bb3r = jnp.tile(jnp.tile(ii3_b, 3), 8)[None]
    T3IK = K8(tile3(jnp.eye(C, dtype=f32)))
    Wp1K = K8(pp1_W)
    WAK = K8(WA)
    WBK = K8(WB)
    Wp3K = K8(pp3_W)
    bp1r = jnp.tile(pp1_b, 8)[None]
    cAr = jnp.tile(c_h, 8)[None]
    bp3r = jnp.tile(pp3_b, 8)[None]

    p1_p = p1.reshape(NP8, 8 * C)
    p3r_p = p3.reshape(3 * N // 8, 8 * C)
    ii2 = idx_i.reshape(NCHUNKS, CHUNK)
    ij2 = idx_j.reshape(NCHUNKS, CHUNK)

    p1n_p, A_p, B_p, p3n_p = pl.pallas_call(
        _tc1_body,
        out_shape=(jax.ShapeDtypeStruct((NP8, 8 * C), f32),
                   jax.ShapeDtypeStruct((NP8, 8 * C), f32),
                   jax.ShapeDtypeStruct((NP8, 8 * C), f32),
                   jax.ShapeDtypeStruct((3 * N // 8, 8 * C), f32)),
    )(p1_p, p3r_p, Wp1K, bp1r, WAK, cAr, WBK, Wp3K, bp3r)

    An = A_p.reshape(N, C)
    Bn = B_p.reshape(N, C)
    p3n = p3n_p.reshape(N, 3 * C)
    gA, gB, g3 = _sc1_gather(An, Bn, p3n, ii2, ij2)

    TB = 400
    grid = (EP8 // TB,)
    bspec = lambda w: pl.BlockSpec((TB, w), lambda i: (i, 0))
    o1p, o3p = pl.pallas_call(
        _tc2_body,
        grid=grid,
        in_specs=[bspec(8 * C), bspec(8 * C), bspec(8 * NB), bspec(24 * C),
                  bspec(24),
                  _full_spec((8 * C, 8 * C * NB)),
                  _full_spec((8 * NB, 8 * C * NB)),
                  _full_spec((8 * C * NB, 8 * C)),
                  _full_spec((8 * C, 8 * C)),
                  _full_spec((8 * C, 24 * C)), _full_spec((8 * C, 24 * C)),
                  _full_spec((24 * C, 24 * C)), _full_spec((24, 24 * C)),
                  _full_spec((1, 8 * C)), _full_spec((1, 24 * C)),
                  _full_spec((1, 24 * C)), _full_spec((1, 24 * C))],
        out_specs=[bspec(8 * C), bspec(24 * C)],
        out_shape=(jax.ShapeDtypeStruct((EP8, 8 * C), f32),
                   jax.ShapeDtypeStruct((EP8, 24 * C), f32)),
    )(gA.reshape(EP8, 8 * C), gB.reshape(EP8, 8 * C),
      basis.reshape(EP8, 8 * NB), g3.reshape(EP8, 24 * C),
      diff.reshape(EP8, 24),
      W2K, TK, RsK, O1K, T2K, T3K, WbdK, Md, b1r, b2r, b3r, bb3r)

    z16 = jnp.zeros((N, C), f32)
    z48 = jnp.zeros((N, 3 * C), f32)
    a1, a3 = _sc2_scatter(ii2, o1p.reshape(E, C), o3p.reshape(E, 3 * C),
                          z16, z48)

    np1_p, np3_p = pl.pallas_call(
        _tc3_body,
        out_shape=(jax.ShapeDtypeStruct((NP8, 8 * C), f32),
                   jax.ShapeDtypeStruct((NP8, 24 * C), f32)),
    )(p1n_p, p3n_p.reshape(NP8, 24 * C), a1.reshape(2 * NP8, 8 * C),
      a3.reshape(2 * NP8, 24 * C), T3IK)
    return (np1_p.reshape(N, C), np3_p.reshape(N, 3, C))

# --- scband reference (transcript-rebuilt; emitter-appended) ---
"""Pipeline reference for scband-gcblock-15745350107646 (READ-ONLY COPY).

The authoritative reference and input builder live on the scoring server;
editing this copy changes nothing except your own understanding.
"""

import jax, jax.numpy as jnp
import numpy as np

N = 10000
E = 160000
C = 16
NB = 16


def setup_inputs(seed: int = 0) -> dict:
    key = jax.random.key(seed)
    ks = jax.random.split(key, 24)
    inp = {}
    inp['p1'] = jax.random.normal(ks[0], (N, C), dtype=jnp.float32)
    inp['p3'] = jax.random.normal(ks[1], (N, 3, C), dtype=jnp.float32)
    inp['p5'] = jax.random.normal(ks[2], (N, 3, 3, C), dtype=jnp.float32)
    inp['idx_i'] = jax.random.randint(ks[3], (E,), 0, N, dtype=jnp.int32)
    inp['idx_j'] = jax.random.randint(ks[4], (E,), 0, N, dtype=jnp.int32)
    inp['diff'] = jax.random.normal(ks[5], (E, 3), dtype=jnp.float32)
    inp['basis'] = jax.random.normal(ks[6], (E, NB), dtype=jnp.float32)
    # learned parameters
    inp['pp1_W'] = jax.random.normal(ks[7], (C, C), dtype=jnp.float32) * 0.1
    inp['pp1_b'] = jnp.zeros((C,), dtype=jnp.float32)
    inp['pi1_W1'] = jax.random.normal(ks[8], (2 * C, C), dtype=jnp.float32) * 0.1
    inp['pi1_b1'] = jnp.zeros((C,), dtype=jnp.float32)
    inp['pi1_W2'] = jax.random.normal(ks[9], (C, C * NB), dtype=jnp.float32) * 0.1
    inp['ii1_W'] = jax.random.normal(ks[10], (C, 4 * C), dtype=jnp.float32) * 0.1
    inp['ii1_b'] = jnp.zeros((4 * C,), dtype=jnp.float32)
    inp['pp3_W'] = jax.random.normal(ks[11], (C, C), dtype=jnp.float32) * 0.1
    inp['pp3_b'] = jnp.zeros((C,), dtype=jnp.float32)
    inp['ii3_W'] = jax.random.normal(ks[12], (C, C), dtype=jnp.float32) * 0.1
    inp['ii3_b'] = jnp.zeros((C,), dtype=jnp.float32)
    inp['pp5_W'] = jax.random.normal(ks[13], (C, C), dtype=jnp.float32) * 0.1
    inp['pp5_b'] = jnp.zeros((C,), dtype=jnp.float32)
    return inp


def reference(p1, p3, p5, idx_i, idx_j, diff, basis,
              pp1_W, pp1_b, pi1_W1, pi1_b1, pi1_W2, ii1_W, ii1_b,
              pp3_W, pp3_b, ii3_W, ii3_b, pp5_W, pp5_b):
    C_ = p1.shape[-1]
    NB_ = basis.shape[-1]
    # pp1 (scalar branch node MLP)
    p1 = p1 @ pp1_W + pp1_b
    # PILayer: gather both endpoints, MLP, contract with radial basis
    inter = jnp.concatenate([p1[idx_i], p1[idx_j]], axis=-1)  # [E, 2C]
    h = inter @ pi1_W1 + pi1_b1                                # [E, C]
    h = h @ pi1_W2                                             # [E, C*NB]
    h = h.reshape(h.shape[0], C_, NB_)
    i1 = jnp.einsum('ehb,eb->eh', h, basis)                    # [E, C]
    # ii1
    i1 = i1 @ ii1_W + ii1_b                                    # [E, 4C]
    i1_1, i1_2, i1_3, i1_4 = jnp.split(i1, 4, axis=-1)         # each [E, C]
    # IPLayer: scatter-add edge messages to destination nodes
    p1 = p1.at[idx_i].add(i1_1)
    # ScaleLayer on diff (edge displacement channels)
    scaled_diff = diff[:, :, None] * i1_3[:, None, :]          # [E, 3, C]
    # vector (rank-1) branch
    p3 = p3 @ pp3_W + pp3_b
    i3 = p3[idx_j]                                             # PIX gather [E, 3, C]
    i3 = i3 * i1_2[:, None, :]                                 # scale1
    i3 = i3 @ ii3_W + ii3_b                                    # ii3 channel MLP
    i3 = i3 + scaled_diff
    p3 = p3.at[idx_i].add(i3)
    # rank-2 tensor branch
    p5 = p5 @ pp5_W + pp5_b
    i5 = p5[idx_j]                                             # [E, 3, 3, C]
    i5 = i5 * i1_4[:, None, None, :]
    vvt = jnp.einsum('ejl,ekl->ejkl', scaled_diff, scaled_diff)
    vvt_trace = jnp.einsum('ejjl->el', vvt)
    S = vvt - vvt_trace[:, None, None, :] * (jnp.eye(3, dtype=vvt.dtype)[None, :, :, None] / 3.0)
    i5 = i5 + S
    p5 = p5.at[idx_i].add(i5)  # computed but not returned (as in original)
    # outputs
    next_p1 = p1 + p1 * p1     # DotLayer on [N, C] == elementwise square
    next_p3 = p3 * p1[:, None, :]
    return (next_p1, next_p3)

if __name__ == "__main__":
    import jax
    _d = setup_inputs()
    print(jax.jit(kernel)(*tuple(_d.values())))

</pallas_src>

<mosaic_0001>
#map = affine_map<(d0, d1) -> (0, 0)>
#map1 = affine_map<(d0, d1) -> (0, 0, 0)>
module attributes {stable_mosaic.version = 14 : i64} {
  func.func @_sc2_scatter(%arg0: i32, %arg1: i32, %arg2: memref<1250x128xi32, #tpu.memory_space<hbm>>, %arg3: memref<160000x16xf32, #tpu.memory_space<hbm>>, %arg4: memref<160000x48xf32, #tpu.memory_space<hbm>>, %arg5: memref<10000x16xf32, #tpu.memory_space<hbm>>, %arg6: memref<10000x48xf32, #tpu.memory_space<hbm>>, %arg7: memref<2x10000x16xf32, #tpu.memory_space<hbm>>, %arg8: memref<2x10000x48xf32, #tpu.memory_space<hbm>>, %arg9: memref<128xi32, #tpu.memory_space<vmem>>, %arg10: memref<128x16xf32, #tpu.memory_space<vmem>>, %arg11: memref<128x48xf32, #tpu.memory_space<vmem>>, %arg12: memref<10000x16xf32, #tpu.memory_space<vmem_shared>>, %arg13: memref<10000x48xf32, #tpu.memory_space<vmem_shared>>, %arg14: memref<!tpu.dma_semaphore, #tpu.memory_space<semaphore_mem>>, %arg15: memref<!tpu.dma_semaphore, #tpu.memory_space<semaphore_mem>>) attributes {dimension_semantics = [#tpu.dimension_semantics<core_parallel>, #tpu.dimension_semantics<subcore_parallel>], iteration_bounds = array<i64: 2, 16>, scalar_prefetch = 0 : i64, scratch_operands = 7 : i64, tpu.core_type = #tpu.core_type<sc_vector_subcore>, window_params = [{transform_indices = #map}, {transform_indices = #map}, {transform_indices = #map}, {transform_indices = #map}, {transform_indices = #map}, {transform_indices = #map1}, {transform_indices = #map1}]} {
    %mul3A = arith.constant 2 : i32
    %mul3A_0 = arith.muli %arg1, %mul3A : i32
    %add3A = arith.addi %mul3A_0, %arg0 : i32
    %eq3A = arith.constant 0 : i32
    %eq3A_1 = arith.cmpi eq, %arg1, %eq3A : i32
    %convert_element_type3A = arith.extui %eq3A_1 : i1 to i32
    %cond3A = arith.constant 0 : i32
    %cond3A_2 = arith.cmpi ne, %convert_element_type3A, %cond3A : i32
    scf.if %cond3A_2 {
      "tpu.region"() ({
        %run_scoped3A = tpu.sem_alloc : memref<!tpu.dma_semaphore, #tpu.memory_space<semaphore_mem>>
        tpu.enqueue_dma source(%arg5 : memref<10000x16xf32, #tpu.memory_space<hbm>>) target(%arg12 : memref<10000x16xf32, #tpu.memory_space<vmem_shared>>) target_semaphore(%run_scoped3A : memref<!tpu.dma_semaphore, #tpu.memory_space<semaphore_mem>>)
        tpu.wait_dma2 semaphore(%run_scoped3A : memref<!tpu.dma_semaphore, #tpu.memory_space<semaphore_mem>>) src(%arg5 : memref<10000x16xf32, #tpu.memory_space<hbm>>) dst(%arg12 : memref<10000x16xf32, #tpu.memory_space<vmem_shared>>)
        tpu.yield
      }) : () -> ()
      "tpu.region"() ({
        %run_scoped3A = tpu.sem_alloc : memref<!tpu.dma_semaphore, #tpu.memory_space<semaphore_mem>>
        tpu.enqueue_dma source(%arg6 : memref<10000x48xf32, #tpu.memory_space<hbm>>) target(%arg13 : memref<10000x48xf32, #tpu.memory_space<vmem_shared>>) target_semaphore(%run_scoped3A : memref<!tpu.dma_semaphore, #tpu.memory_space<semaphore_mem>>)
        tpu.wait_dma2 semaphore(%run_scoped3A : memref<!tpu.dma_semaphore, #tpu.memory_space<semaphore_mem>>) src(%arg6 : memref<10000x48xf32, #tpu.memory_space<hbm>>) dst(%arg13 : memref<10000x48xf32, #tpu.memory_space<vmem_shared>>)
        tpu.yield
      }) : () -> ()
    } else {
    }
    %barrier3A = arith.constant 0 : index
    tpu.barrier barrier_id(%barrier3A)
    %scan3A = arith.constant 0 : i32
    %scan3A_3 = arith.constant 0 : i32
    %scan3A_4 = arith.constant 40 : i32
    %scan3A_5 = arith.addi %scan3A_3, %scan3A_4 : i32
    %scan3A_6 = arith.constant 1 : i32
    scf.for %scan3A_14 = %scan3A_3 to %scan3A_5 step %scan3A_6  : i32 {
      %mul3A_15 = arith.constant 32 : i32
      %mul3A_16 = arith.muli %mul3A_15, %scan3A_14 : i32
      %add3A_17 = arith.addi %add3A, %mul3A_16 : i32
      %lt3A = arith.constant 1250 : i32
      %lt3A_18 = arith.cmpi slt, %add3A_17, %lt3A : i32
      %convert_element_type3A_19 = arith.extui %lt3A_18 : i1 to i32
      %cond3A_20 = arith.constant 0 : i32
      %cond3A_21 = arith.cmpi ne, %convert_element_type3A_19, %cond3A_20 : i32
      scf.if %cond3A_21 {
        "tpu.region"() ({
          %run_scoped3A = tpu.sem_alloc : memref<!tpu.dma_semaphore, #tpu.memory_space<semaphore_mem>>
          %dma_start3A_40 = arith.constant 0 : i32
          %dma_start3A_41 = tpu.memref_slice %arg2[%add3A_17, %dma_start3A_40] : memref<1250x128xi32, #tpu.memory_space<hbm>> -> memref<1x128xi32, #tpu.memory_space<hbm>>
          %dma_start3A_42 = tpu.memref_squeeze %dma_start3A_41 : memref<1x128xi32, #tpu.memory_space<hbm>> -> memref<128xi32, #tpu.memory_space<hbm>>
          %dma_start3A_43 = arith.constant 0 : i32
          %dma_start3A_44 = tpu.memref_slice %arg2[%add3A_17, %dma_start3A_43] : memref<1250x128xi32, #tpu.memory_space<hbm>> -> memref<1x128xi32, #tpu.memory_space<hbm>>
          %dma_start3A_45 = tpu.memref_squeeze %dma_start3A_44 : memref<1x128xi32, #tpu.memory_space<hbm>> -> memref<128xi32, #tpu.memory_space<hbm>>
          tpu.enqueue_dma source(%dma_start3A_45 : memref<128xi32, #tpu.memory_space<hbm>>) target(%arg9 : memref<128xi32, #tpu.memory_space<vmem>>) target_semaphore(%run_scoped3A : memref<!tpu.dma_semaphore, #tpu.memory_space<semaphore_mem>>)
          %dma_wait3A_46 = arith.constant 0 : i32
          %dma_wait3A_47 = tpu.memref_slice %arg2[%add3A_17, %dma_wait3A_46] : memref<1250x128xi32, #tpu.memory_space<hbm>> -> memref<1x128xi32, #tpu.memory_space<hbm>>
          %dma_wait3A_48 = tpu.memref_squeeze %dma_wait3A_47 : memref<1x128xi32, #tpu.memory_space<hbm>> -> memref<128xi32, #tpu.memory_space<hbm>>
          %dma_wait3A_49 = arith.constant 0 : i32
          %dma_wait3A_50 = tpu.memref_slice %arg2[%add3A_17, %dma_wait3A_49] : memref<1250x128xi32, #tpu.memory_space<hbm>> -> memref<1x128xi32, #tpu.memory_space<hbm>>
          %dma_wait3A_51 = tpu.memref_squeeze %dma_wait3A_50 : memref<1x128xi32, #tpu.memory_space<hbm>> -> memref<128xi32, #tpu.memory_space<hbm>>
          tpu.wait_dma2 semaphore(%run_scoped3A : memref<!tpu.dma_semaphore, #tpu.memory_space<semaphore_mem>>) src(%dma_wait3A_51 : memref<128xi32, #tpu.memory_space<hbm>>) dst(%arg9 : memref<128xi32, #tpu.memory_space<vmem>>)
          tpu.yield
        }) : () -> ()
        %mul3A_22 = arith.constant 128 : i32
        %mul3A_23 = arith.muli %add3A_17, %mul3A_22 : i32
        %dma_start3A = arith.constant 0 : i32
        %dma_start3A_24 = tpu.memref_slice %arg3[%mul3A_23, %dma_start3A] : memref<160000x16xf32, #tpu.memory_space<hbm>> -> memref<128x16xf32, #tpu.memory_space<hbm>>
        %dma_start3A_25 = arith.constant 0 : i32
        %dma_start3A_26 = tpu.memref_slice %arg3[%mul3A_23, %dma_start3A_25] : memref<160000x16xf32, #tpu.memory_space<hbm>> -> memref<128x16xf32, #tpu.memory_space<hbm>>
        tpu.enqueue_dma source(%dma_start3A_26 : memref<128x16xf32, #tpu.memory_space<hbm>>) target(%arg10 : memref<128x16xf32, #tpu.memory_space<vmem>>) target_semaphore(%arg14 : memref<!tpu.dma_semaphore, #tpu.memory_space<semaphore_mem>>)
        %mul3A_27 = arith.constant 128 : i32
        %mul3A_28 = arith.muli %add3A_17, %mul3A_27 : i32
        %dma_start3A_29 = arith.constant 0 : i32
        %dma_start3A_30 = tpu.memref_slice %arg4[%mul3A_28, %dma_start3A_29] : memref<160000x48xf32, #tpu.memory_space<hbm>> -> memref<128x48xf32, #tpu.memory_space<hbm>>
        %dma_start3A_31 = arith.constant 0 : i32
        %dma_start3A_32 = tpu.memref_slice %arg4[%mul3A_28, %dma_start3A_31] : memref<160000x48xf32, #tpu.memory_space<hbm>> -> memref<128x48xf32, #tpu.memory_space<hbm>>
        tpu.enqueue_dma source(%dma_start3A_32 : memref<128x48xf32, #tpu.memory_space<hbm>>) target(%arg11 : memref<128x48xf32, #tpu.memory_space<vmem>>) target_semaphore(%arg15 : memref<!tpu.dma_semaphore, #tpu.memory_space<semaphore_mem>>)
        %dma_wait3A = arith.constant 0 : i32
        %dma_wait3A_33 = tpu.memref_slice %arg3[%mul3A_23, %dma_wait3A] : memref<160000x16xf32, #tpu.memory_space<hbm>> -> memref<128x16xf32, #tpu.memory_space<hbm>>
        %dma_wait3A_34 = arith.constant 0 : i32
        %dma_wait3A_35 = tpu.memref_slice %arg3[%mul3A_23, %dma_wait3A_34] : memref<160000x16xf32, #tpu.memory_space<hbm>> -> memref<128x16xf32, #tpu.memory_space<hbm>>
        tpu.wait_dma2 semaphore(%arg14 : memref<!tpu.dma_semaphore, #tpu.memory_space<semaphore_mem>>) src(%dma_wait3A_35 : memref<128x16xf32, #tpu.memory_space<hbm>>) dst(%arg10 : memref<128x16xf32, #tpu.memory_space<vmem>>)
        %dma_wait3A_36 = arith.constant 0 : i32
        %dma_wait3A_37 = tpu.memref_slice %arg4[%mul3A_28, %dma_wait3A_36] : memref<160000x48xf32, #tpu.memory_space<hbm>> -> memref<128x48xf32, #tpu.memory_space<hbm>>
        %dma_wait3A_38 = arith.constant 0 : i32
        %dma_wait3A_39 = tpu.memref_slice %arg4[%mul3A_28, %dma_wait3A_38] : memref<160000x48xf32, #tpu.memory_space<hbm>> -> memref<128x48xf32, #tpu.memory_space<hbm>>
        tpu.wait_dma2 semaphore(%arg15 : memref<!tpu.dma_semaphore, #tpu.memory_space<semaphore_mem>>) src(%dma_wait3A_39 : memref<128x48xf32, #tpu.memory_space<hbm>>) dst(%arg11 : memref<128x48xf32, #tpu.memory_space<vmem>>)
        "tpu.region"() ({
          %run_scoped3A = tpu.sem_alloc : memref<!tpu.dma_semaphore, #tpu.memory_space<semaphore_mem>>
          %dma_start3A_40 = arith.constant 0 : i32
          %dma_start3A_41 = arith.constant 0 : i32
          %dma_start3A_42 = tpu.memref_slice %arg12[%dma_start3A_40, %dma_start3A_41] : memref<10000x16xf32, #tpu.memory_space<vmem_shared>> -> memref<10000x16xf32, #tpu.memory_space<vmem_shared>>
          tpu.enqueue_indirect_dma source(%arg10 : memref<128x16xf32, #tpu.memory_space<vmem>>) target(%dma_start3A_42 : memref<10000x16xf32, #tpu.memory_space<vmem_shared>>) offsets(%arg9 : memref<128xi32, #tpu.memory_space<vmem>>) semaphore(%run_scoped3A : memref<!tpu.dma_semaphore, #tpu.memory_space<semaphore_mem>>) {add = true}
          %dma_wait3A_43 = arith.constant 0 : i32
          %dma_wait3A_44 = arith.constant 0 : i32
          %dma_wait3A_45 = tpu.memref_slice %arg12[%dma_wait3A_43, %dma_wait3A_44] : memref<10000x16xf32, #tpu.memory_space<vmem_shared>> -> memref<10000x16xf32, #tpu.memory_space<vmem_shared>>
          tpu.wait_indirect_dma semaphore(%run_scoped3A : memref<!tpu.dma_semaphore, #tpu.memory_space<semaphore_mem>>) src(%arg10 : memref<128x16xf32, #tpu.memory_space<vmem>>) dst(%dma_wait3A_45 : memref<10000x16xf32, #tpu.memory_space<vmem_shared>>)
          tpu.yield
        }) : () -> ()
        "tpu.region"() ({
          %run_scoped3A = tpu.sem_alloc : memref<!tpu.dma_semaphore, #tpu.memory_space<semaphore_mem>>
          %dma_start3A_40 = arith.constant 0 : i32
          %dma_start3A_41 = arith.constant 0 : i32
          %dma_start3A_42 = tpu.memref_slice %arg13[%dma_start3A_40, %dma_start3A_41] : memref<10000x48xf32, #tpu.memory_space<vmem_shared>> -> memref<10000x48xf32, #tpu.memory_space<vmem_shared>>
          tpu.enqueue_indirect_dma source(%arg11 : memref<128x48xf32, #tpu.memory_space<vmem>>) target(%dma_start3A_42 : memref<10000x48xf32, #tpu.memory_space<vmem_shared>>) offsets(%arg9 : memref<128xi32, #tpu.memory_space<vmem>>) semaphore(%run_scoped3A : memref<!tpu.dma_semaphore, #tpu.memory_space<semaphore_mem>>) {add = true}
          %dma_wait3A_43 = arith.constant 0 : i32
          %dma_wait3A_44 = arith.constant 0 : i32
          %dma_wait3A_45 = tpu.memref_slice %arg13[%dma_wait3A_43, %dma_wait3A_44] : memref<10000x48xf32, #tpu.memory_space<vmem_shared>> -> memref<10000x48xf32, #tpu.memory_space<vmem_shared>>
          tpu.wait_indirect_dma semaphore(%run_scoped3A : memref<!tpu.dma_semaphore, #tpu.memory_space<semaphore_mem>>) src(%arg11 : memref<128x48xf32, #tpu.memory_space<vmem>>) dst(%dma_wait3A_45 : memref<10000x48xf32, #tpu.memory_space<vmem_shared>>)
          tpu.yield
        }) : () -> ()
      } else {
      }
    }
    %scan3A_7 = arith.constant 40 : i32
    %barrier3A_8 = arith.constant 0 : index
    tpu.barrier barrier_id(%barrier3A_8)
    %eq3A_9 = arith.constant 0 : i32
    %eq3A_10 = arith.cmpi eq, %arg1, %eq3A_9 : i32
    %convert_element_type3A_11 = arith.extui %eq3A_10 : i1 to i32
    %cond3A_12 = arith.constant 0 : i32
    %cond3A_13 = arith.cmpi ne, %convert_element_type3A_11, %cond3A_12 : i32
    scf.if %cond3A_13 {
      "tpu.region"() ({
        %run_scoped3A = tpu.sem_alloc : memref<!tpu.dma_semaphore, #tpu.memory_space<semaphore_mem>>
        %dma_start3A = arith.constant 0 : i32
        %dma_start3A_14 = arith.constant 0 : i32
        %dma_start3A_15 = tpu.memref_slice %arg7[%arg0, %dma_start3A, %dma_start3A_14] : memref<2x10000x16xf32, #tpu.memory_space<hbm>> -> memref<1x10000x16xf32, #tpu.memory_space<hbm>>
        %dma_start3A_16 = tpu.memref_squeeze %dma_start3A_15 : memref<1x10000x16xf32, #tpu.memory_space<hbm>> -> memref<10000x16xf32, #tpu.memory_space<hbm>>
        tpu.enqueue_dma source(%arg12 : memref<10000x16xf32, #tpu.memory_space<vmem_shared>>) target(%dma_start3A_16 : memref<10000x16xf32, #tpu.memory_space<hbm>>) target_semaphore(%run_scoped3A : memref<!tpu.dma_semaphore, #tpu.memory_space<semaphore_mem>>)
        %dma_wait3A = arith.constant 0 : i32
        %dma_wait3A_17 = arith.constant 0 : i32
        %dma_wait3A_18 = tpu.memref_slice %arg7[%arg0, %dma_wait3A, %dma_wait3A_17] : memref<2x10000x16xf32, #tpu.memory_space<hbm>> -> memref<1x10000x16xf32, #tpu.memory_space<hbm>>
        %dma_wait3A_19 = tpu.memref_squeeze %dma_wait3A_18 : memref<1x10000x16xf32, #tpu.memory_space<hbm>> -> memref<10000x16xf32, #tpu.memory_space<hbm>>
        tpu.wait_dma2 semaphore(%run_scoped3A : memref<!tpu.dma_semaphore, #tpu.memory_space<semaphore_mem>>) src(%arg12 : memref<10000x16xf32, #tpu.memory_space<vmem_shared>>) dst(%dma_wait3A_19 : memref<10000x16xf32, #tpu.memory_space<hbm>>)
        tpu.yield
      }) : () -> ()
      "tpu.region"() ({
        %run_scoped3A = tpu.sem_alloc : memref<!tpu.dma_semaphore, #tpu.memory_space<semaphore_mem>>
        %dma_start3A = arith.constant 0 : i32
        %dma_start3A_14 = arith.constant 0 : i32
        %dma_start3A_15 = tpu.memref_slice %arg8[%arg0, %dma_start3A, %dma_start3A_14] : memref<2x10000x48xf32, #tpu.memory_space<hbm>> -> memref<1x10000x48xf32, #tpu.memory_space<hbm>>
        %dma_start3A_16 = tpu.memref_squeeze %dma_start3A_15 : memref<1x10000x48xf32, #tpu.memory_space<hbm>> -> memref<10000x48xf32, #tpu.memory_space<hbm>>
        tpu.enqueue_dma source(%arg13 : memref<10000x48xf32, #tpu.memory_space<vmem_shared>>) target(%dma_start3A_16 : memref<10000x48xf32, #tpu.memory_space<hbm>>) target_semaphore(%run_scoped3A : memref<!tpu.dma_semaphore, #tpu.memory_space<semaphore_mem>>)
        %dma_wait3A = arith.constant 0 : i32
        %dma_wait3A_17 = arith.constant 0 : i32
        %dma_wait3A_18 = tpu.memref_slice %arg8[%arg0, %dma_wait3A, %dma_wait3A_17] : memref<2x10000x48xf32, #tpu.memory_space<hbm>> -> memref<1x10000x48xf32, #tpu.memory_space<hbm>>
        %dma_wait3A_19 = tpu.memref_squeeze %dma_wait3A_18 : memref<1x10000x48xf32, #tpu.memory_space<hbm>> -> memref<10000x48xf32, #tpu.memory_space<hbm>>
        tpu.wait_dma2 semaphore(%run_scoped3A : memref<!tpu.dma_semaphore, #tpu.memory_space<semaphore_mem>>) src(%arg13 : memref<10000x48xf32, #tpu.memory_space<vmem_shared>>) dst(%dma_wait3A_19 : memref<10000x48xf32, #tpu.memory_space<hbm>>)
        tpu.yield
      }) : () -> ()
    } else {
    }
    return
  }
}

#map = affine_map<(d0, d1) -> (0, 0)>
module attributes {stable_mosaic.version = 14 : i64} {
  func.func @_sc1_gather(%arg0: i32, %arg1: i32, %arg2: memref<10000x16xf32, #tpu.memory_space<hbm>>, %arg3: memref<10000x16xf32, #tpu.memory_space<hbm>>, %arg4: memref<10000x48xf32, #tpu.memory_space<hbm>>, %arg5: memref<1250x128xi32, #tpu.memory_space<hbm>>, %arg6: memref<1250x128xi32, #tpu.memory_space<hbm>>, %arg7: memref<160000x16xf32, #tpu.memory_space<hbm>>, %arg8: memref<160000x16xf32, #tpu.memory_space<hbm>>, %arg9: memref<160000x48xf32, #tpu.memory_space<hbm>>, %arg10: memref<128xi32, #tpu.memory_space<vmem>>, %arg11: memref<128xi32, #tpu.memory_space<vmem>>, %arg12: memref<128x16xf32, #tpu.memory_space<vmem>>, %arg13: memref<128x16xf32, #tpu.memory_space<vmem>>, %arg14: memref<128x48xf32, #tpu.memory_space<vmem>>, %arg15: memref<!tpu.dma_semaphore, #tpu.memory_space<semaphore_mem>>, %arg16: memref<!tpu.dma_semaphore, #tpu.memory_space<semaphore_mem>>, %arg17: memref<!tpu.dma_semaphore, #tpu.memory_space<semaphore_mem>>) attributes {dimension_semantics = [#tpu.dimension_semantics<core_parallel>, #tpu.dimension_semantics<subcore_parallel>], iteration_bounds = array<i64: 2, 16>, scalar_prefetch = 0 : i64, scratch_operands = 8 : i64, tpu.core_type = #tpu.core_type<sc_vector_subcore>, window_params = [{transform_indices = #map}, {transform_indices = #map}, {transform_indices = #map}, {transform_indices = #map}, {transform_indices = #map}, {transform_indices = #map}, {transform_indices = #map}, {transform_indices = #map}]} {
    %mul3A = arith.constant 2 : i32
    %mul3A_0 = arith.muli %arg1, %mul3A : i32
    %add3A = arith.addi %mul3A_0, %arg0 : i32
    %scan3A = arith.constant 0 : i32
    %scan3A_1 = arith.constant 0 : i32
    %scan3A_2 = arith.constant 40 : i32
    %scan3A_3 = arith.addi %scan3A_1, %scan3A_2 : i32
    %scan3A_4 = arith.constant 1 : i32
    scf.for %scan3A_6 = %scan3A_1 to %scan3A_3 step %scan3A_4  : i32 {
      %mul3A_7 = arith.constant 32 : i32
      %mul3A_8 = arith.muli %mul3A_7, %scan3A_6 : i32
      %add3A_9 = arith.addi %add3A, %mul3A_8 : i32
      %lt3A = arith.constant 1250 : i32
      %lt3A_10 = arith.cmpi slt, %add3A_9, %lt3A : i32
      %convert_element_type3A = arith.extui %lt3A_10 : i1 to i32
      %cond3A = arith.constant 0 : i32
      %cond3A_11 = arith.cmpi ne, %convert_element_type3A, %cond3A : i32
      scf.if %cond3A_11 {
        "tpu.region"() ({
          %run_scoped3A = tpu.sem_alloc : memref<!tpu.dma_semaphore, #tpu.memory_space<semaphore_mem>>
          %dma_start3A_34 = arith.constant 0 : i32
          %dma_start3A_35 = tpu.memref_slice %arg5[%add3A_9, %dma_start3A_34] : memref<1250x128xi32, #tpu.memory_space<hbm>> -> memref<1x128xi32, #tpu.memory_space<hbm>>
          %dma_start3A_36 = tpu.memref_squeeze %dma_start3A_35 : memref<1x128xi32, #tpu.memory_space<hbm>> -> memref<128xi32, #tpu.memory_space<hbm>>
          %dma_start3A_37 = arith.constant 0 : i32
          %dma_start3A_38 = tpu.memref_slice %arg5[%add3A_9, %dma_start3A_37] : memref<1250x128xi32, #tpu.memory_space<hbm>> -> memref<1x128xi32, #tpu.memory_space<hbm>>
          %dma_start3A_39 = tpu.memref_squeeze %dma_start3A_38 : memref<1x128xi32, #tpu.memory_space<hbm>> -> memref<128xi32, #tpu.memory_space<hbm>>
          tpu.enqueue_dma source(%dma_start3A_39 : memref<128xi32, #tpu.memory_space<hbm>>) target(%arg10 : memref<128xi32, #tpu.memory_space<vmem>>) target_semaphore(%run_scoped3A : memref<!tpu.dma_semaphore, #tpu.memory_space<semaphore_mem>>)
          %dma_wait3A_40 = arith.constant 0 : i32
          %dma_wait3A_41 = tpu.memref_slice %arg5[%add3A_9, %dma_wait3A_40] : memref<1250x128xi32, #tpu.memory_space<hbm>> -> memref<1x128xi32, #tpu.memory_space<hbm>>
          %dma_wait3A_42 = tpu.memref_squeeze %dma_wait3A_41 : memref<1x128xi32, #tpu.memory_space<hbm>> -> memref<128xi32, #tpu.memory_space<hbm>>
          %dma_wait3A_43 = arith.constant 0 : i32
          %dma_wait3A_44 = tpu.memref_slice %arg5[%add3A_9, %dma_wait3A_43] : memref<1250x128xi32, #tpu.memory_space<hbm>> -> memref<1x128xi32, #tpu.memory_space<hbm>>
          %dma_wait3A_45 = tpu.memref_squeeze %dma_wait3A_44 : memref<1x128xi32, #tpu.memory_space<hbm>> -> memref<128xi32, #tpu.memory_space<hbm>>
          tpu.wait_dma2 semaphore(%run_scoped3A : memref<!tpu.dma_semaphore, #tpu.memory_space<semaphore_mem>>) src(%dma_wait3A_45 : memref<128xi32, #tpu.memory_space<hbm>>) dst(%arg10 : memref<128xi32, #tpu.memory_space<vmem>>)
          tpu.yield
        }) : () -> ()
        "tpu.region"() ({
          %run_scoped3A = tpu.sem_alloc : memref<!tpu.dma_semaphore, #tpu.memory_space<semaphore_mem>>
          %dma_start3A_34 = arith.constant 0 : i32
          %dma_start3A_35 = tpu.memref_slice %arg6[%add3A_9, %dma_start3A_34] : memref<1250x128xi32, #tpu.memory_space<hbm>> -> memref<1x128xi32, #tpu.memory_space<hbm>>
          %dma_start3A_36 = tpu.memref_squeeze %dma_start3A_35 : memref<1x128xi32, #tpu.memory_space<hbm>> -> memref<128xi32, #tpu.memory_space<hbm>>
          %dma_start3A_37 = arith.constant 0 : i32
          %dma_start3A_38 = tpu.memref_slice %arg6[%add3A_9, %dma_start3A_37] : memref<1250x128xi32, #tpu.memory_space<hbm>> -> memref<1x128xi32, #tpu.memory_space<hbm>>
          %dma_start3A_39 = tpu.memref_squeeze %dma_start3A_38 : memref<1x128xi32, #tpu.memory_space<hbm>> -> memref<128xi32, #tpu.memory_space<hbm>>
          tpu.enqueue_dma source(%dma_start3A_39 : memref<128xi32, #tpu.memory_space<hbm>>) target(%arg11 : memref<128xi32, #tpu.memory_space<vmem>>) target_semaphore(%run_scoped3A : memref<!tpu.dma_semaphore, #tpu.memory_space<semaphore_mem>>)
          %dma_wait3A_40 = arith.constant 0 : i32
          %dma_wait3A_41 = tpu.memref_slice %arg6[%add3A_9, %dma_wait3A_40] : memref<1250x128xi32, #tpu.memory_space<hbm>> -> memref<1x128xi32, #tpu.memory_space<hbm>>
          %dma_wait3A_42 = tpu.memref_squeeze %dma_wait3A_41 : memref<1x128xi32, #tpu.memory_space<hbm>> -> memref<128xi32, #tpu.memory_space<hbm>>
          %dma_wait3A_43 = arith.constant 0 : i32
          %dma_wait3A_44 = tpu.memref_slice %arg6[%add3A_9, %dma_wait3A_43] : memref<1250x128xi32, #tpu.memory_space<hbm>> -> memref<1x128xi32, #tpu.memory_space<hbm>>
          %dma_wait3A_45 = tpu.memref_squeeze %dma_wait3A_44 : memref<1x128xi32, #tpu.memory_space<hbm>> -> memref<128xi32, #tpu.memory_space<hbm>>
          tpu.wait_dma2 semaphore(%run_scoped3A : memref<!tpu.dma_semaphore, #tpu.memory_space<semaphore_mem>>) src(%dma_wait3A_45 : memref<128xi32, #tpu.memory_space<hbm>>) dst(%arg11 : memref<128xi32, #tpu.memory_space<vmem>>)
          tpu.yield
        }) : () -> ()
        %dma_start3A = arith.constant 0 : i32
        %dma_start3A_12 = arith.constant 0 : i32
        %dma_start3A_13 = tpu.memref_slice %arg2[%dma_start3A, %dma_start3A_12] : memref<10000x16xf32, #tpu.memory_space<hbm>> -> memref<10000x16xf32, #tpu.memory_space<hbm>>
        tpu.enqueue_indirect_dma source(%dma_start3A_13 : memref<10000x16xf32, #tpu.memory_space<hbm>>) target(%arg12 : memref<128x16xf32, #tpu.memory_space<vmem>>) offsets(%arg10 : memref<128xi32, #tpu.memory_space<vmem>>) semaphore(%arg15 : memref<!tpu.dma_semaphore, #tpu.memory_space<semaphore_mem>>)
        %dma_start3A_14 = arith.constant 0 : i32
        %dma_start3A_15 = arith.constant 0 : i32
        %dma_start3A_16 = tpu.memref_slice %arg3[%dma_start3A_14, %dma_start3A_15] : memref<10000x16xf32, #tpu.memory_space<hbm>> -> memref<10000x16xf32, #tpu.memory_space<hbm>>
        tpu.enqueue_indirect_dma source(%dma_start3A_16 : memref<10000x16xf32, #tpu.memory_space<hbm>>) target(%arg13 : memref<128x16xf32, #tpu.memory_space<vmem>>) offsets(%arg11 : memref<128xi32, #tpu.memory_space<vmem>>) semaphore(%arg16 : memref<!tpu.dma_semaphore, #tpu.memory_space<semaphore_mem>>)
        %dma_start3A_17 = arith.constant 0 : i32
        %dma_start3A_18 = arith.constant 0 : i32
        %dma_start3A_19 = tpu.memref_slice %arg4[%dma_start3A_17, %dma_start3A_18] : memref<10000x48xf32, #tpu.memory_space<hbm>> -> memref<10000x48xf32, #tpu.memory_space<hbm>>
        tpu.enqueue_indirect_dma source(%dma_start3A_19 : memref<10000x48xf32, #tpu.memory_space<hbm>>) target(%arg14 : memref<128x48xf32, #tpu.memory_space<vmem>>) offsets(%arg11 : memref<128xi32, #tpu.memory_space<vmem>>) semaphore(%arg17 : memref<!tpu.dma_semaphore, #tpu.memory_space<semaphore_mem>>)
        %dma_wait3A = arith.constant 0 : i32
        %dma_wait3A_20 = arith.constant 0 : i32
        %dma_wait3A_21 = tpu.memref_slice %arg2[%dma_wait3A, %dma_wait3A_20] : memref<10000x16xf32, #tpu.memory_space<hbm>> -> memref<10000x16xf32, #tpu.memory_space<hbm>>
        tpu.wait_indirect_dma semaphore(%arg15 : memref<!tpu.dma_semaphore, #tpu.memory_space<semaphore_mem>>) src(%dma_wait3A_21 : memref<10000x16xf32, #tpu.memory_space<hbm>>) dst(%arg12 : memref<128x16xf32, #tpu.memory_space<vmem>>)
        %dma_wait3A_22 = arith.constant 0 : i32
        %dma_wait3A_23 = arith.constant 0 : i32
        %dma_wait3A_24 = tpu.memref_slice %arg3[%dma_wait3A_22, %dma_wait3A_23] : memref<10000x16xf32, #tpu.memory_space<hbm>> -> memref<10000x16xf32, #tpu.memory_space<hbm>>
        tpu.wait_indirect_dma semaphore(%arg16 : memref<!tpu.dma_semaphore, #tpu.memory_space<semaphore_mem>>) src(%dma_wait3A_24 : memref<10000x16xf32, #tpu.memory_space<hbm>>) dst(%arg13 : memref<128x16xf32, #tpu.memory_space<vmem>>)
        %dma_wait3A_25 = arith.constant 0 : i32
        %dma_wait3A_26 = arith.constant 0 : i32
        %dma_wait3A_27 = tpu.memref_slice %arg4[%dma_wait3A_25, %dma_wait3A_26] : memref<10000x48xf32, #tpu.memory_space<hbm>> -> memref<10000x48xf32, #tpu.memory_space<hbm>>
        tpu.wait_indirect_dma semaphore(%arg17 : memref<!tpu.dma_semaphore, #tpu.memory_space<semaphore_mem>>) src(%dma_wait3A_27 : memref<10000x48xf32, #tpu.memory_space<hbm>>) dst(%arg14 : memref<128x48xf32, #tpu.memory_space<vmem>>)
        %mul3A_28 = arith.constant 128 : i32
        %mul3A_29 = arith.muli %add3A_9, %mul3A_28 : i32
        "tpu.region"() ({
          %run_scoped3A = tpu.sem_alloc : memref<!tpu.dma_semaphore, #tpu.memory_space<semaphore_mem>>
          %dma_start3A_34 = arith.constant 0 : i32
          %dma_start3A_35 = tpu.memref_slice %arg7[%mul3A_29, %dma_start3A_34] : memref<160000x16xf32, #tpu.memory_space<hbm>> -> memref<128x16xf32, #tpu.memory_space<hbm>>
          %dma_start3A_36 = arith.constant 0 : i32
          %dma_start3A_37 = tpu.memref_slice %arg7[%mul3A_29, %dma_start3A_36] : memref<160000x16xf32, #tpu.memory_space<hbm>> -> memref<128x16xf32, #tpu.memory_space<hbm>>
          tpu.enqueue_dma source(%arg12 : memref<128x16xf32, #tpu.memory_space<vmem>>) target(%dma_start3A_37 : memref<128x16xf32, #tpu.memory_space<hbm>>) target_semaphore(%run_scoped3A : memref<!tpu.dma_semaphore, #tpu.memory_space<semaphore_mem>>)
          %dma_wait3A_38 = arith.constant 0 : i32
          %dma_wait3A_39 = tpu.memref_slice %arg7[%mul3A_29, %dma_wait3A_38] : memref<160000x16xf32, #tpu.memory_space<hbm>> -> memref<128x16xf32, #tpu.memory_space<hbm>>
          %dma_wait3A_40 = arith.constant 0 : i32
          %dma_wait3A_41 = tpu.memref_slice %arg7[%mul3A_29, %dma_wait3A_40] : memref<160000x16xf32, #tpu.memory_space<hbm>> -> memref<128x16xf32, #tpu.memory_space<hbm>>
          tpu.wait_dma2 semaphore(%run_scoped3A : memref<!tpu.dma_semaphore, #tpu.memory_space<semaphore_mem>>) src(%arg12 : memref<128x16xf32, #tpu.memory_space<vmem>>) dst(%dma_wait3A_41 : memref<128x16xf32, #tpu.memory_space<hbm>>)
          tpu.yield
        }) : () -> ()
        %mul3A_30 = arith.constant 128 : i32
        %mul3A_31 = arith.muli %add3A_9, %mul3A_30 : i32
        "tpu.region"() ({
          %run_scoped3A = tpu.sem_alloc : memref<!tpu.dma_semaphore, #tpu.memory_space<semaphore_mem>>
          %dma_start3A_34 = arith.constant 0 : i32
          %dma_start3A_35 = tpu.memref_slice %arg8[%mul3A_31, %dma_start3A_34] : memref<160000x16xf32, #tpu.memory_space<hbm>> -> memref<128x16xf32, #tpu.memory_space<hbm>>
          %dma_start3A_36 = arith.constant 0 : i32
          %dma_start3A_37 = tpu.memref_slice %arg8[%mul3A_31, %dma_start3A_36] : memref<160000x16xf32, #tpu.memory_space<hbm>> -> memref<128x16xf32, #tpu.memory_space<hbm>>
          tpu.enqueue_dma source(%arg13 : memref<128x16xf32, #tpu.memory_space<vmem>>) target(%dma_start3A_37 : memref<128x16xf32, #tpu.memory_space<hbm>>) target_semaphore(%run_scoped3A : memref<!tpu.dma_semaphore, #tpu.memory_space<semaphore_mem>>)
          %dma_wait3A_38 = arith.constant 0 : i32
          %dma_wait3A_39 = tpu.memref_slice %arg8[%mul3A_31, %dma_wait3A_38] : memref<160000x16xf32, #tpu.memory_space<hbm>> -> memref<128x16xf32, #tpu.memory_space<hbm>>
          %dma_wait3A_40 = arith.constant 0 : i32
          %dma_wait3A_41 = tpu.memref_slice %arg8[%mul3A_31, %dma_wait3A_40] : memref<160000x16xf32, #tpu.memory_space<hbm>> -> memref<128x16xf32, #tpu.memory_space<hbm>>
          tpu.wait_dma2 semaphore(%run_scoped3A : memref<!tpu.dma_semaphore, #tpu.memory_space<semaphore_mem>>) src(%arg13 : memref<128x16xf32, #tpu.memory_space<vmem>>) dst(%dma_wait3A_41 : memref<128x16xf32, #tpu.memory_space<hbm>>)
          tpu.yield
        }) : () -> ()
        %mul3A_32 = arith.constant 128 : i32
        %mul3A_33 = arith.muli %add3A_9, %mul3A_32 : i32
        "tpu.region"() ({
          %run_scoped3A = tpu.sem_alloc : memref<!tpu.dma_semaphore, #tpu.memory_space<semaphore_mem>>
          %dma_start3A_34 = arith.constant 0 : i32
          %dma_start3A_35 = tpu.memref_slice %arg9[%mul3A_33, %dma_start3A_34] : memref<160000x48xf32, #tpu.memory_space<hbm>> -> memref<128x48xf32, #tpu.memory_space<hbm>>
          %dma_start3A_36 = arith.constant 0 : i32
          %dma_start3A_37 = tpu.memref_slice %arg9[%mul3A_33, %dma_start3A_36] : memref<160000x48xf32, #tpu.memory_space<hbm>> -> memref<128x48xf32, #tpu.memory_space<hbm>>
          tpu.enqueue_dma source(%arg14 : memref<128x48xf32, #tpu.memory_space<vmem>>) target(%dma_start3A_37 : memref<128x48xf32, #tpu.memory_space<hbm>>) target_semaphore(%run_scoped3A : memref<!tpu.dma_semaphore, #tpu.memory_space<semaphore_mem>>)
          %dma_wait3A_38 = arith.constant 0 : i32
          %dma_wait3A_39 = tpu.memref_slice %arg9[%mul3A_33, %dma_wait3A_38] : memref<160000x48xf32, #tpu.memory_space<hbm>> -> memref<128x48xf32, #tpu.memory_space<hbm>>
          %dma_wait3A_40 = arith.constant 0 : i32
          %dma_wait3A_41 = tpu.memref_slice %arg9[%mul3A_33, %dma_wait3A_40] : memref<160000x48xf32, #tpu.memory_space<hbm>> -> memref<128x48xf32, #tpu.memory_space<hbm>>
          tpu.wait_dma2 semaphore(%run_scoped3A : memref<!tpu.dma_semaphore, #tpu.memory_space<semaphore_mem>>) src(%arg14 : memref<128x48xf32, #tpu.memory_space<vmem>>) dst(%dma_wait3A_41 : memref<128x48xf32, #tpu.memory_space<hbm>>)
          tpu.yield
        }) : () -> ()
      } else {
      }
    }
    %scan3A_5 = arith.constant 40 : i32
    return
  }
}

module attributes {stable_mosaic.version = 14 : i64} {
  func.func @_tc1_body(%arg0: memref<1250x128xf32, #tpu.memory_space<vmem>>, %arg1: memref<3750x128xf32, #tpu.memory_space<vmem>>, %arg2: memref<128x128xf32, #tpu.memory_space<vmem>>, %arg3: memref<1x128xf32, #tpu.memory_space<vmem>>, %arg4: memref<128x128xf32, #tpu.memory_space<vmem>>, %arg5: memref<1x128xf32, #tpu.memory_space<vmem>>, %arg6: memref<128x128xf32, #tpu.memory_space<vmem>>, %arg7: memref<128x128xf32, #tpu.memory_space<vmem>>, %arg8: memref<1x128xf32, #tpu.memory_space<vmem>>, %arg9: memref<1250x128xf32, #tpu.memory_space<vmem>>, %arg10: memref<1250x128xf32, #tpu.memory_space<vmem>>, %arg11: memref<1250x128xf32, #tpu.memory_space<vmem>>, %arg12: memref<3750x128xf32, #tpu.memory_space<vmem>>) attributes {dimension_semantics = [], scalar_prefetch = 0 : i64, scratch_operands = 0 : i64, tpu.core_type = #tpu.core_type<tc>} {
    %get3A = arith.constant 0 : index
    %get3A_0 = arith.constant 0 : index
    %get3A_1 = vector.load %arg0[%get3A, %get3A_0] : memref<1250x128xf32, #tpu.memory_space<vmem>>, vector<1250x128xf32>
    %get3A_2 = arith.constant 0 : index
    %get3A_3 = arith.constant 0 : index
    %get3A_4 = vector.load %arg2[%get3A_2, %get3A_3] : memref<128x128xf32, #tpu.memory_space<vmem>>, vector<128x128xf32>
    %dot_general3A = arith.constant dense<0.000000e+00> : vector<1250x128xf32>
    %dot_general3A_5 = tpu.matmul %get3A_1, %get3A_4, %dot_general3A {dimension_numbers = #tpu.dot_dimension_numbers<[1], [0], [0], [1], [0, 0, 1, 1], [], []>, transpose_lhs_hint = false} : vector<1250x128xf32>, vector<128x128xf32>, vector<1250x128xf32> -> vector<1250x128xf32>
    %get3A_6 = arith.constant 0 : index
    %get3A_7 = arith.constant 0 : index
    %get3A_8 = vector.load %arg3[%get3A_6, %get3A_7] : memref<1x128xf32, #tpu.memory_space<vmem>>, vector<1x128xf32>
    %add3A = vector.broadcast %get3A_8 : vector<1x128xf32> to vector<1250x128xf32>
    %add3A_9 = arith.addf %dot_general3A_5, %add3A : vector<1250x128xf32>
    %swap3A = arith.constant 0 : index
    %swap3A_10 = arith.constant 0 : index
    %swap3A_11 = vector.load %arg9[%swap3A, %swap3A_10] : memref<1250x128xf32, #tpu.memory_space<vmem>>, vector<1250x128xf32>
    tpu.vector_store %arg9[%swap3A, %swap3A_10], %add3A_9 {strides = array<i32>} : memref<1250x128xf32, #tpu.memory_space<vmem>>, vector<1250x128xf32>,
    %get3A_12 = arith.constant 0 : index
    %get3A_13 = arith.constant 0 : index
    %get3A_14 = vector.load %arg4[%get3A_12, %get3A_13] : memref<128x128xf32, #tpu.memory_space<vmem>>, vector<128x128xf32>
    %dot_general3A_15 = arith.constant dense<0.000000e+00> : vector<1250x128xf32>
    %dot_general3A_16 = tpu.matmul %get3A_1, %get3A_14, %dot_general3A_15 {dimension_numbers = #tpu.dot_dimension_numbers<[1], [0], [0], [1], [0, 0, 1, 1], [], []>, transpose_lhs_hint = false} : vector<1250x128xf32>, vector<128x128xf32>, vector<1250x128xf32> -> vector<1250x128xf32>
    %get3A_17 = arith.constant 0 : index
    %get3A_18 = arith.constant 0 : index
    %get3A_19 = vector.load %arg5[%get3A_17, %get3A_18] : memref<1x128xf32, #tpu.memory_space<vmem>>, vector<1x128xf32>
    %add3A_20 = vector.broadcast %get3A_19 : vector<1x128xf32> to vector<1250x128xf32>
    %add3A_21 = arith.addf %dot_general3A_16, %add3A_20 : vector<1250x128xf32>
    %swap3A_22 = arith.constant 0 : index
    %swap3A_23 = arith.constant 0 : index
    %swap3A_24 = vector.load %arg10[%swap3A_22, %swap3A_23] : memref<1250x128xf32, #tpu.memory_space<vmem>>, vector<1250x128xf32>
    tpu.vector_store %arg10[%swap3A_22, %swap3A_23], %add3A_21 {strides = array<i32>} : memref<1250x128xf32, #tpu.memory_space<vmem>>, vector<1250x128xf32>,
    %get3A_25 = arith.constant 0 : index
    %get3A_26 = arith.constant 0 : index
    %get3A_27 = vector.load %arg6[%get3A_25, %get3A_26] : memref<128x128xf32, #tpu.memory_space<vmem>>, vector<128x128xf32>
    %dot_general3A_28 = arith.constant dense<0.000000e+00> : vector<1250x128xf32>
    %dot_general3A_29 = tpu.matmul %get3A_1, %get3A_27, %dot_general3A_28 {dimension_numbers = #tpu.dot_dimension_numbers<[1], [0], [0], [1], [0, 0, 1, 1], [], []>, transpose_lhs_hint = false} : vector<1250x128xf32>, vector<128x128xf32>, vector<1250x128xf32> -> vector<1250x128xf32>
    %swap3A_30 = arith.constant 0 : index
    %swap3A_31 = arith.constant 0 : index
    %swap3A_32 = vector.load %arg11[%swap3A_30, %swap3A_31] : memref<1250x128xf32, #tpu.memory_space<vmem>>, vector<1250x128xf32>
    tpu.vector_store %arg11[%swap3A_30, %swap3A_31], %dot_general3A_29 {strides = array<i32>} : memref<1250x128xf32, #tpu.memory_space<vmem>>, vector<1250x128xf32>,
    %get3A_33 = arith.constant 0 : index
    %get3A_34 = arith.constant 0 : index
    %get3A_35 = vector.load %arg1[%get3A_33, %get3A_34] : memref<3750x128xf32, #tpu.memory_space<vmem>>, vector<3750x128xf32>
    %get3A_36 = arith.constant 0 : index
    %get3A_37 = arith.constant 0 : index
    %get3A_38 = vector.load %arg7[%get3A_36, %get3A_37] : memref<128x128xf32, #tpu.memory_space<vmem>>, vector<128x128xf32>
    %dot_general3A_39 = arith.constant dense<0.000000e+00> : vector<3750x128xf32>
    %dot_general3A_40 = tpu.matmul %get3A_35, %get3A_38, %dot_general3A_39 {dimension_numbers = #tpu.dot_dimension_numbers<[1], [0], [0], [1], [0, 0, 1, 1], [], []>, transpose_lhs_hint = false} : vector<3750x128xf32>, vector<128x128xf32>, vector<3750x128xf32> -> vector<3750x128xf32>
    %get3A_41 = arith.constant 0 : index
    %get3A_42 = arith.constant 0 : index
    %get3A_43 = vector.load %arg8[%get3A_41, %get3A_42] : memref<1x128xf32, #tpu.memory_space<vmem>>, vector<1x128xf32>
    %add3A_44 = vector.broadcast %get3A_43 : vector<1x128xf32> to vector<3750x128xf32>
    %add3A_45 = arith.addf %dot_general3A_40, %add3A_44 : vector<3750x128xf32>
    %swap3A_46 = arith.constant 0 : index
    %swap3A_47 = arith.constant 0 : index
    %swap3A_48 = vector.load %arg12[%swap3A_46, %swap3A_47] : memref<3750x128xf32, #tpu.memory_space<vmem>>, vector<3750x128xf32>
    tpu.vector_store %arg12[%swap3A_46, %swap3A_47], %add3A_45 {strides = array<i32>} : memref<3750x128xf32, #tpu.memory_space<vmem>>, vector<3750x128xf32>,
    return
  }
}

module attributes {stable_mosaic.version = 14 : i64} {
  func.func @_tc2_body(%arg0: i32, %arg1: memref<400x128xf32, #tpu.memory_space<vmem>>, %arg2: memref<400x128xf32, #tpu.memory_space<vmem>>, %arg3: memref<400x128xf32, #tpu.memory_space<vmem>>, %arg4: memref<400x384xf32, #tpu.memory_space<vmem>>, %arg5: memref<400x24xf32, #tpu.memory_space<vmem>>, %arg6: memref<128x2048xf32, #tpu.memory_space<vmem>>, %arg7: memref<128x2048xf32, #tpu.memory_space<vmem>>, %arg8: memref<2048x128xf32, #tpu.memory_space<vmem>>, %arg9: memref<128x128xf32, #tpu.memory_space<vmem>>, %arg10: memref<128x384xf32, #tpu.memory_space<vmem>>, %arg11: memref<128x384xf32, #tpu.memory_space<vmem>>, %arg12: memref<384x384xf32, #tpu.memory_space<vmem>>, %arg13: memref<24x384xf32, #tpu.memory_space<vmem>>, %arg14: memref<1x128xf32, #tpu.memory_space<vmem>>, %arg15: memref<1x384xf32, #tpu.memory_space<vmem>>, %arg16: memref<1x384xf32, #tpu.memory_space<vmem>>, %arg17: memref<1x384xf32, #tpu.memory_space<vmem>>, %arg18: memref<400x128xf32, #tpu.memory_space<vmem>>, %arg19: memref<400x384xf32, #tpu.memory_space<vmem>>) attributes {dimension_semantics = [#tpu.dimension_semantics<arbitrary>], iteration_bounds = array<i64: 50>, scalar_prefetch = 0 : i64, scratch_operands = 0 : i64, tpu.core_type = #tpu.core_type<tc>, window_params = [{transform_indices = @transform_0, window_bounds = array<i64: 400, 128>}, {transform_indices = @transform_1, window_bounds = array<i64: 400, 128>}, {transform_indices = @transform_2, window_bounds = array<i64: 400, 128>}, {transform_indices = @transform_3, window_bounds = array<i64: 400, 384>}, {transform_indices = @transform_4, window_bounds = array<i64: 400, 24>}, {pipeline_mode = #tpu.pipeline_mode<synchronous>, transform_indices = @transform_5, window_bounds = array<i64: 128, 2048>}, {pipeline_mode = #tpu.pipeline_mode<synchronous>, transform_indices = @transform_6, window_bounds = array<i64: 128, 2048>}, {pipeline_mode = #tpu.pipeline_mode<synchronous>, transform_indices = @transform_7, window_bounds = array<i64: 2048, 128>}, {pipeline_mode = #tpu.pipeline_mode<synchronous>, transform_indices = @transform_8, window_bounds = array<i64: 128, 128>}, {pipeline_mode = #tpu.pipeline_mode<synchronous>, transform_indices = @transform_9, window_bounds = array<i64: 128, 384>}, {pipeline_mode = #tpu.pipeline_mode<synchronous>, transform_indices = @transform_10, window_bounds = array<i64: 128, 384>}, {pipeline_mode = #tpu.pipeline_mode<synchronous>, transform_indices = @transform_11, window_bounds = array<i64: 384, 384>}, {pipeline_mode = #tpu.pipeline_mode<synchronous>, transform_indices = @transform_12, window_bounds = array<i64: 24, 384>}, {pipeline_mode = #tpu.pipeline_mode<synchronous>, transform_indices = @transform_13, window_bounds = array<i64: 1, 128>}, {pipeline_mode = #tpu.pipeline_mode<synchronous>, transform_indices = @transform_14, window_bounds = array<i64: 1, 384>}, {pipeline_mode = #tpu.pipeline_mode<synchronous>, transform_indices = @transform_15, window_bounds = array<i64: 1, 384>}, {pipeline_mode = #tpu.pipeline_mode<synchronous>, transform_indices = @transform_16, window_bounds = array<i64: 1, 384>}, {transform_indices = @transform_17, window_bounds = array<i64: 400, 128>}, {transform_indices = @transform_18, window_bounds = array<i64: 400, 384>}]} {
    %get3A = arith.constant 0 : index
    %get3A_0 = arith.constant 0 : index
    %get3A_1 = vector.load %arg1[%get3A, %get3A_0] : memref<400x128xf32, #tpu.memory_space<vmem>>, vector<400x128xf32>
    %get3A_2 = arith.constant 0 : index
    %get3A_3 = arith.constant 0 : index
    %get3A_4 = vector.load %arg2[%get3A_2, %get3A_3] : memref<400x128xf32, #tpu.memory_space<vmem>>, vector<400x128xf32>
    %add3A = arith.addf %get3A_1, %get3A_4 : vector<400x128xf32>
    %get3A_5 = arith.constant 0 : index
    %get3A_6 = arith.constant 0 : index
    %get3A_7 = vector.load %arg6[%get3A_5, %get3A_6] : memref<128x2048xf32, #tpu.memory_space<vmem>>, vector<128x2048xf32>
    %dot_general3A = arith.constant dense<0.000000e+00> : vector<400x2048xf32>
    %dot_general3A_8 = tpu.matmul %add3A, %get3A_7, %dot_general3A {dimension_numbers = #tpu.dot_dimension_numbers<[1], [0], [0], [1], [0, 0, 1, 1], [], []>, transpose_lhs_hint = false} : vector<400x128xf32>, vector<128x2048xf32>, vector<400x2048xf32> -> vector<400x2048xf32>
    %get3A_9 = arith.constant 0 : index
    %get3A_10 = arith.constant 0 : index
    %get3A_11 = vector.load %arg3[%get3A_9, %get3A_10] : memref<400x128xf32, #tpu.memory_space<vmem>>, vector<400x128xf32>
    %get3A_12 = arith.constant 0 : index
    %get3A_13 = arith.constant 0 : index
    %get3A_14 = vector.load %arg7[%get3A_12, %get3A_13] : memref<128x2048xf32, #tpu.memory_space<vmem>>, vector<128x2048xf32>
    %dot_general3A_15 = arith.constant dense<0.000000e+00> : vector<400x2048xf32>
    %dot_general3A_16 = tpu.matmul %get3A_11, %get3A_14, %dot_general3A_15 {dimension_numbers = #tpu.dot_dimension_numbers<[1], [0], [0], [1], [0, 0, 1, 1], [], []>, transpose_lhs_hint = false} : vector<400x128xf32>, vector<128x2048xf32>, vector<400x2048xf32> -> vector<400x2048xf32>
    %mul3A = arith.mulf %dot_general3A_8, %dot_general3A_16 : vector<400x2048xf32>
    %get3A_17 = arith.constant 0 : index
    %get3A_18 = arith.constant 0 : index
    %get3A_19 = vector.load %arg8[%get3A_17, %get3A_18] : memref<2048x128xf32, #tpu.memory_space<vmem>>, vector<2048x128xf32>
    %dot_general3A_20 = arith.constant dense<0.000000e+00> : vector<400x128xf32>
    %dot_general3A_21 = tpu.matmul %mul3A, %get3A_19, %dot_general3A_20 {dimension_numbers = #tpu.dot_dimension_numbers<[1], [0], [0], [1], [0, 0, 1, 1], [], []>, transpose_lhs_hint = false} : vector<400x2048xf32>, vector<2048x128xf32>, vector<400x128xf32> -> vector<400x128xf32>
    %get3A_22 = arith.constant 0 : index
    %get3A_23 = arith.constant 0 : index
    %get3A_24 = vector.load %arg9[%get3A_22, %get3A_23] : memref<128x128xf32, #tpu.memory_space<vmem>>, vector<128x128xf32>
    %dot_general3A_25 = arith.constant dense<0.000000e+00> : vector<400x128xf32>
    %dot_general3A_26 = tpu.matmul %dot_general3A_21, %get3A_24, %dot_general3A_25 {dimension_numbers = #tpu.dot_dimension_numbers<[1], [0], [0], [1], [0, 0, 1, 1], [], []>, transpose_lhs_hint = false} : vector<400x128xf32>, vector<128x128xf32>, vector<400x128xf32> -> vector<400x128xf32>
    %get3A_27 = arith.constant 0 : index
    %get3A_28 = arith.constant 0 : index
    %get3A_29 = vector.load %arg14[%get3A_27, %get3A_28] : memref<1x128xf32, #tpu.memory_space<vmem>>, vector<1x128xf32>
    %add3A_30 = vector.broadcast %get3A_29 : vector<1x128xf32> to vector<400x128xf32>
    %add3A_31 = arith.addf %dot_general3A_26, %add3A_30 : vector<400x128xf32>
    %swap3A = arith.constant 0 : index
    %swap3A_32 = arith.constant 0 : index
    %swap3A_33 = vector.load %arg18[%swap3A, %swap3A_32] : memref<400x128xf32, #tpu.memory_space<vmem>>, vector<400x128xf32>
    tpu.vector_store %arg18[%swap3A, %swap3A_32], %add3A_31 {strides = array<i32>} : memref<400x128xf32, #tpu.memory_space<vmem>>, vector<400x128xf32>,
    %get3A_34 = arith.constant 0 : index
    %get3A_35 = arith.constant 0 : index
    %get3A_36 = vector.load %arg10[%get3A_34, %get3A_35] : memref<128x384xf32, #tpu.memory_space<vmem>>, vector<128x384xf32>
    %dot_general3A_37 = arith.constant dense<0.000000e+00> : vector<400x384xf32>
    %dot_general3A_38 = tpu.matmul %dot_general3A_21, %get3A_36, %dot_general3A_37 {dimension_numbers = #tpu.dot_dimension_numbers<[1], [0], [0], [1], [0, 0, 1, 1], [], []>, transpose_lhs_hint = false} : vector<400x128xf32>, vector<128x384xf32>, vector<400x384xf32> -> vector<400x384xf32>
    %get3A_39 = arith.constant 0 : index
    %get3A_40 = arith.constant 0 : index
    %get3A_41 = vector.load %arg15[%get3A_39, %get3A_40] : memref<1x384xf32, #tpu.memory_space<vmem>>, vector<1x384xf32>
    %add3A_42 = vector.broadcast %get3A_41 : vector<1x384xf32> to vector<400x384xf32>
    %add3A_43 = arith.addf %dot_general3A_38, %add3A_42 : vector<400x384xf32>
    %get3A_44 = arith.constant 0 : index
    %get3A_45 = arith.constant 0 : index
    %get3A_46 = vector.load %arg11[%get3A_44, %get3A_45] : memref<128x384xf32, #tpu.memory_space<vmem>>, vector<128x384xf32>
    %dot_general3A_47 = arith.constant dense<0.000000e+00> : vector<400x384xf32>
    %dot_general3A_48 = tpu.matmul %dot_general3A_21, %get3A_46, %dot_general3A_47 {dimension_numbers = #tpu.dot_dimension_numbers<[1], [0], [0], [1], [0, 0, 1, 1], [], []>, transpose_lhs_hint = false} : vector<400x128xf32>, vector<128x384xf32>, vector<400x384xf32> -> vector<400x384xf32>
    %get3A_49 = arith.constant 0 : index
    %get3A_50 = arith.constant 0 : index
    %get3A_51 = vector.load %arg16[%get3A_49, %get3A_50] : memref<1x384xf32, #tpu.memory_space<vmem>>, vector<1x384xf32>
    %add3A_52 = vector.broadcast %get3A_51 : vector<1x384xf32> to vector<400x384xf32>
    %add3A_53 = arith.addf %dot_general3A_48, %add3A_52 : vector<400x384xf32>
    %get3A_54 = arith.constant 0 : index
    %get3A_55 = arith.constant 0 : index
    %get3A_56 = vector.load %arg4[%get3A_54, %get3A_55] : memref<400x384xf32, #tpu.memory_space<vmem>>, vector<400x384xf32>
    %mul3A_57 = arith.mulf %get3A_56, %add3A_43 : vector<400x384xf32>
    %get3A_58 = arith.constant 0 : index
    %get3A_59 = arith.constant 0 : index
    %get3A_60 = vector.load %arg5[%get3A_58, %get3A_59] : memref<400x24xf32, #tpu.memory_space<vmem>>, vector<400x24xf32>
    %get3A_61 = arith.constant 0 : index
    %get3A_62 = arith.constant 0 : index
    %get3A_63 = vector.load %arg13[%get3A_61, %get3A_62] : memref<24x384xf32, #tpu.memory_space<vmem>>, vector<24x384xf32>
    %dot_general3A_64 = arith.constant dense<0.000000e+00> : vector<400x384xf32>
    %dot_general3A_65 = tpu.matmul %get3A_60, %get3A_63, %dot_general3A_64 {dimension_numbers = #tpu.dot_dimension_numbers<[1], [0], [0], [1], [0, 0, 1, 1], [], []>, transpose_lhs_hint = false} : vector<400x24xf32>, vector<24x384xf32>, vector<400x384xf32> -> vector<400x384xf32>
    %get3A_66 = arith.constant 0 : index
    %get3A_67 = arith.constant 0 : index
    %get3A_68 = vector.load %arg12[%get3A_66, %get3A_67] : memref<384x384xf32, #tpu.memory_space<vmem>>, vector<384x384xf32>
    %dot_general3A_69 = arith.constant dense<0.000000e+00> : vector<400x384xf32>
    %dot_general3A_70 = tpu.matmul %mul3A_57, %get3A_68, %dot_general3A_69 {dimension_numbers = #tpu.dot_dimension_numbers<[1], [0], [0], [1], [0, 0, 1, 1], [], []>, transpose_lhs_hint = false} : vector<400x384xf32>, vector<384x384xf32>, vector<400x384xf32> -> vector<400x384xf32>
    %mul3A_71 = arith.mulf %dot_general3A_65, %add3A_53 : vector<400x384xf32>
    %add3A_72 = arith.addf %dot_general3A_70, %mul3A_71 : vector<400x384xf32>
    %get3A_73 = arith.constant 0 : index
    %get3A_74 = arith.constant 0 : index
    %get3A_75 = vector.load %arg17[%get3A_73, %get3A_74] : memref<1x384xf32, #tpu.memory_space<vmem>>, vector<1x384xf32>
    %add3A_76 = vector.broadcast %get3A_75 : vector<1x384xf32> to vector<400x384xf32>
    %add3A_77 = arith.addf %add3A_72, %add3A_76 : vector<400x384xf32>
    %swap3A_78 = arith.constant 0 : index
    %swap3A_79 = arith.constant 0 : index
    %swap3A_80 = vector.load %arg19[%swap3A_78, %swap3A_79] : memref<400x384xf32, #tpu.memory_space<vmem>>, vector<400x384xf32>
    tpu.vector_store %arg19[%swap3A_78, %swap3A_79], %add3A_77 {strides = array<i32>} : memref<400x384xf32, #tpu.memory_space<vmem>>, vector<400x384xf32>,
    return
  }
  func.func @transform_0(%arg0: i32) -> (i32, i32) {
    %c0_i32 = arith.constant 0 : i32
    %c0_i32_0 = arith.constant 0 : i32
    return %arg0, %c0_i32 : i32, i32
  }
  func.func @transform_1(%arg0: i32) -> (i32, i32) {
    %c0_i32 = arith.constant 0 : i32
    %c0_i32_0 = arith.constant 0 : i32
    return %arg0, %c0_i32 : i32, i32
  }
  func.func @transform_2(%arg0: i32) -> (i32, i32) {
    %c0_i32 = arith.constant 0 : i32
    %c0_i32_0 = arith.constant 0 : i32
    return %arg0, %c0_i32 : i32, i32
  }
  func.func @transform_3(%arg0: i32) -> (i32, i32) {
    %c0_i32 = arith.constant 0 : i32
    %c0_i32_0 = arith.constant 0 : i32
    return %arg0, %c0_i32 : i32, i32
  }
  func.func @transform_4(%arg0: i32) -> (i32, i32) {
    %c0_i32 = arith.constant 0 : i32
    %c0_i32_0 = arith.constant 0 : i32
    return %arg0, %c0_i32 : i32, i32
  }
  func.func @transform_5(%arg0: i32) -> (i32, i32) {
    %c0_i32 = arith.constant 0 : i32
    %c0_i32_0 = arith.constant 0 : i32
    %c0_i32_1 = arith.constant 0 : i32
    return %c0_i32, %c0_i32_0 : i32, i32
  }
  func.func @transform_6(%arg0: i32) -> (i32, i32) {
    %c0_i32 = arith.constant 0 : i32
    %c0_i32_0 = arith.constant 0 : i32
    %c0_i32_1 = arith.constant 0 : i32
    return %c0_i32, %c0_i32_0 : i32, i32
  }
  func.func @transform_7(%arg0: i32) -> (i32, i32) {
    %c0_i32 = arith.constant 0 : i32
    %c0_i32_0 = arith.constant 0 : i32
    %c0_i32_1 = arith.constant 0 : i32
    return %c0_i32, %c0_i32_0 : i32, i32
  }
  func.func @transform_8(%arg0: i32) -> (i32, i32) {
    %c0_i32 = arith.constant 0 : i32
    %c0_i32_0 = arith.constant 0 : i32
    %c0_i32_1 = arith.constant 0 : i32
    return %c0_i32, %c0_i32_0 : i32, i32
  }
  func.func @transform_9(%arg0: i32) -> (i32, i32) {
    %c0_i32 = arith.constant 0 : i32
    %c0_i32_0 = arith.constant 0 : i32
    %c0_i32_1 = arith.constant 0 : i32
    return %c0_i32, %c0_i32_0 : i32, i32
  }
  func.func @transform_10(%arg0: i32) -> (i32, i32) {
    %c0_i32 = arith.constant 0 : i32
    %c0_i32_0 = arith.constant 0 : i32
    %c0_i32_1 = arith.constant 0 : i32
    return %c0_i32, %c0_i32_0 : i32, i32
  }
  func.func @transform_11(%arg0: i32) -> (i32, i32) {
    %c0_i32 = arith.constant 0 : i32
    %c0_i32_0 = arith.constant 0 : i32
    %c0_i32_1 = arith.constant 0 : i32
    return %c0_i32, %c0_i32_0 : i32, i32
  }
  func.func @transform_12(%arg0: i32) -> (i32, i32) {
    %c0_i32 = arith.constant 0 : i32
    %c0_i32_0 = arith.constant 0 : i32
    %c0_i32_1 = arith.constant 0 : i32
    return %c0_i32, %c0_i32_0 : i32, i32
  }
  func.func @transform_13(%arg0: i32) -> (i32, i32) {
    %c0_i32 = arith.constant 0 : i32
    %c0_i32_0 = arith.constant 0 : i32
    %c0_i32_1 = arith.constant 0 : i32
    return %c0_i32, %c0_i32_0 : i32, i32
  }
  func.func @transform_14(%arg0: i32) -> (i32, i32) {
    %c0_i32 = arith.constant 0 : i32
    %c0_i32_0 = arith.constant 0 : i32
    %c0_i32_1 = arith.constant 0 : i32
    return %c0_i32, %c0_i32_0 : i32, i32
  }
  func.func @transform_15(%arg0: i32) -> (i32, i32) {
    %c0_i32 = arith.constant 0 : i32
    %c0_i32_0 = arith.constant 0 : i32
    %c0_i32_1 = arith.constant 0 : i32
    return %c0_i32, %c0_i32_0 : i32, i32
  }
  func.func @transform_16(%arg0: i32) -> (i32, i32) {
    %c0_i32 = arith.constant 0 : i32
    %c0_i32_0 = arith.constant 0 : i32
    %c0_i32_1 = arith.constant 0 : i32
    return %c0_i32, %c0_i32_0 : i32, i32
  }
  func.func @transform_17(%arg0: i32) -> (i32, i32) {
    %c0_i32 = arith.constant 0 : i32
    %c0_i32_0 = arith.constant 0 : i32
    return %arg0, %c0_i32 : i32, i32
  }
  func.func @transform_18(%arg0: i32) -> (i32, i32) {
    %c0_i32 = arith.constant 0 : i32
    %c0_i32_0 = arith.constant 0 : i32
    return %arg0, %c0_i32 : i32, i32
  }
}

module attributes {stable_mosaic.version = 14 : i64} {
  func.func @_tc3_body(%arg0: memref<1250x128xf32, #tpu.memory_space<vmem>>, %arg1: memref<1250x384xf32, #tpu.memory_space<vmem>>, %arg2: memref<2500x128xf32, #tpu.memory_space<vmem>>, %arg3: memref<2500x384xf32, #tpu.memory_space<vmem>>, %arg4: memref<128x384xf32, #tpu.memory_space<vmem>>, %arg5: memref<1250x128xf32, #tpu.memory_space<vmem>>, %arg6: memref<1250x384xf32, #tpu.memory_space<vmem>>) attributes {dimension_semantics = [], scalar_prefetch = 0 : i64, scratch_operands = 0 : i64, tpu.core_type = #tpu.core_type<tc>} {
    %get3A = arith.constant 0 : index
    %get3A_0 = arith.constant 0 : index
    %get3A_1 = vector.load %arg0[%get3A, %get3A_0] : memref<1250x128xf32, #tpu.memory_space<vmem>>, vector<1250x128xf32>
    %get3A_2 = arith.constant 0 : index
    %get3A_3 = arith.constant 0 : index
    %get3A_4 = vector.load %arg2[%get3A_2, %get3A_3] : memref<2500x128xf32, #tpu.memory_space<vmem>>, vector<1250x128xf32>
    %add3A = arith.addf %get3A_1, %get3A_4 : vector<1250x128xf32>
    %get3A_5 = arith.constant 1250 : index
    %get3A_6 = arith.constant 0 : index
    %get3A_7 = vector.load %arg2[%get3A_5, %get3A_6] : memref<2500x128xf32, #tpu.memory_space<vmem>>, vector<1250x128xf32>
    %add3A_8 = arith.addf %add3A, %get3A_7 : vector<1250x128xf32>
    %get3A_9 = arith.constant 0 : index
    %get3A_10 = arith.constant 0 : index
    %get3A_11 = vector.load %arg1[%get3A_9, %get3A_10] : memref<1250x384xf32, #tpu.memory_space<vmem>>, vector<1250x384xf32>
    %get3A_12 = arith.constant 0 : index
    %get3A_13 = arith.constant 0 : index
    %get3A_14 = vector.load %arg3[%get3A_12, %get3A_13] : memref<2500x384xf32, #tpu.memory_space<vmem>>, vector<1250x384xf32>
    %add3A_15 = arith.addf %get3A_11, %get3A_14 : vector<1250x384xf32>
    %get3A_16 = arith.constant 1250 : index
    %get3A_17 = arith.constant 0 : index
    %get3A_18 = vector.load %arg3[%get3A_16, %get3A_17] : memref<2500x384xf32, #tpu.memory_space<vmem>>, vector<1250x384xf32>
    %add3A_19 = arith.addf %add3A_15, %get3A_18 : vector<1250x384xf32>
    %mul3A = arith.mulf %add3A_8, %add3A_8 : vector<1250x128xf32>
    %add3A_20 = arith.addf %add3A_8, %mul3A : vector<1250x128xf32>
    %swap3A = arith.constant 0 : index
    %swap3A_21 = arith.constant 0 : index
    %swap3A_22 = vector.load %arg5[%swap3A, %swap3A_21] : memref<1250x128xf32, #tpu.memory_space<vmem>>, vector<1250x128xf32>
    tpu.vector_store %arg5[%swap3A, %swap3A_21], %add3A_20 {strides = array<i32>} : memref<1250x128xf32, #tpu.memory_space<vmem>>, vector<1250x128xf32>,
    %get3A_23 = arith.constant 0 : index
    %get3A_24 = arith.constant 0 : index
    %get3A_25 = vector.load %arg4[%get3A_23, %get3A_24] : memref<128x384xf32, #tpu.memory_space<vmem>>, vector<128x384xf32>
    %dot_general3A = arith.constant dense<0.000000e+00> : vector<1250x384xf32>
    %dot_general3A_26 = tpu.matmul %add3A_8, %get3A_25, %dot_general3A {dimension_numbers = #tpu.dot_dimension_numbers<[1], [0], [0], [1], [0, 0, 1, 1], [], []>, transpose_lhs_hint = false} : vector<1250x128xf32>, vector<128x384xf32>, vector<1250x384xf32> -> vector<1250x384xf32>
    %mul3A_27 = arith.mulf %add3A_19, %dot_general3A_26 : vector<1250x384xf32>
    %swap3A_28 = arith.constant 0 : index
    %swap3A_29 = arith.constant 0 : index
    %swap3A_30 = vector.load %arg6[%swap3A_28, %swap3A_29] : memref<1250x384xf32, #tpu.memory_space<vmem>>, vector<1250x384xf32>
    tpu.vector_store %arg6[%swap3A_28, %swap3A_29], %mul3A_27 {strides = array<i32>} : memref<1250x384xf32, #tpu.memory_space<vmem>>, vector<1250x384xf32>,
    return
  }
}

</mosaic_0001>

<sc_bundles>
// kernel: kernel.10.cloned.1.call-start
scs
__scs_entry_jumppad:
0x0: {  	(pc) =	sbr.rel $0x88, $3  }
0x1: {  	(tag) =	ssettag $0x0;
	lr =	simm.s32 $0x1  }
0x2: {  	[smem:$0x3F90] =	sst lr;
	_ =	strace $0xD0000000  }
0x3: {  	_ = 	snop  }
0x4: {  	_ = 	snop  }
0x5: {  	_ = 	snop  }
0x6: {  	_ = 	snop  }
0x7: {  	_ = 	snop  }
__scs_overlays_trampoline_lowered:
0x8: {  	[smem:$0x3F9F] =	sst s0  }
0x9: {  	[smem:$0x3FA0] =	sst s1  }
0xa: {  	[smem:$0x3FA1] =	sst s2  }
0xb: {  	[smem:$0x3FA2] =	sst s3  }
0xc: {  	[smem:$0x3FA3] =	sst s4  }
0xd: {  	[smem:$0x3FA4] =	sst s5  }
0xe: {  	[smem:$0x3FA5] =	sst s6  }
0xf: {  	[smem:$0x3FA6] =	sst s7  }
0x10: {  	[smem:$0x3FA7] =	sst s8  }
0x11: {  	[smem:$0x3FA8] =	sst s9;
	s0 =	simm.s32 @!p0 $0x0  }
0x12: {  	s1 =	sld [smem:$0x3F8E];
	s0 =	simm.s32 @p0 $0x1  }
0x13: {  	[smem:$0x3FA9] =	sst s0;
	s0 =	simm.s32 @!p1 $0x0  }
0x14: {  	s2 =	sld [smem:$0x3F8D];
	s0 =	simm.s32 @p1 $0x1  }
0x15: {  	[smem:$0x3FAA] =	sst s0;
	s0 =	simm.s32 @!p2 $0x0  }
0x16: {  	s3 =	sld [smem:$0x3FDB];
	s0 =	simm.s32 @p2 $0x1  }
0x17: {  	s4 =	simm.s32 $0x1BF5;
	[smem:$0x3FAC] =	sst s0  }
0x18: {  	s0 =	sld [smem:$0x3F8F];
	_ =	swait.ge [sflag:s4], $0x0  }
0x19: {  	s7 =	sld [smem:$0x3F90]  }
0x1a: {  	s8 =	sadd.s32 $0xFFFFE003, lr  }
0x1b: {  	s9 =	sadd.s32 $0xFFFFFEF7, lr;
	s5 =	simm.s32 $0xFFFFFFFF;
	p2 =	slt.u32 s8, $0xFFFFF086  }
0x1c: {  	p1 =	slt.u32 s9, $0xF7A;
	s5 =	simm.s32 @!p2 $0x0  }
0x1d: {  	s5 =	simm.s32 @p1 $0x1;
	p0 =	seq.s32 s7, s2  }
0x1e: {  	s7 =	smul.u32 @!p0 $0xF7A, s2;
	p2 =	seq.s32 @!p0 s5, $0x0  }
0x1f: {  	s9 =	smul.u32 $0xF7A, s1;
	s8 =	simm.s32 @!p0 $0x1BF5;
	p2 =	por !p2, p0  }
0x20: {  	[sflag:s8] =	ssyncset.s32 @!p0 $0xFFFFF086;
	s6 =	sadd.s32 @!p0 s3, s7;
	s7 =	simm.s32 @!p0 $0x108  }
0x21: {  	s3 =	sadd.s32 s3, s9;
	s6 =	sadd.s32 @!p0 $0x88, s6;
	s7 =	simm.s32 @p2 $0x1082  }
0x22: {  	[simem:s7], [sflag:s8] =	dma.local @!p0 [hbm:s6], $0xF7A  }
0x23: {  	s9 =	sor.u32 $0xD0000000, s2;
	s6 =	simm.s32 $0x108;
	_ =	swait.ge @!p0 [sflag:s8], $0x0  }
0x24: {  	s3 =	sadd.s32 $0x88, s3;
	s6 =	simm.s32 @!p1 $0x1082;
	[sflag:s4] =	ssyncset.s32 $0xFFFFF086  }
0x25: {  	[simem:s6], [sflag:s4] =	dma.local [hbm:s3], $0xF7A  }
0x26: {  	[smem:$0x3F90] =	sst s1;
	(tag) =	ssettag s2;
	_ =	strace s9  }
0x27: {  	s1 =	sld [smem:$0x3FA0]  }
0x28: {  	s2 =	sld [smem:$0x3FA1]  }
0x29: {  	s4 =	sld [smem:$0x3FA3]  }
0x2a: {  	p0 =	seq.s32 s5, $0x0;
	s5 =	sld [smem:$0x3FA4]  }
0x2b: {  	s6 =	sld [smem:$0x3FA5]  }
0x2c: {  	s7 =	sld [smem:$0x3FA6]  }
0x2d: {  	s3 =	simm.s32 $0x108;
	s8 =	sld [smem:$0x3FA7]  }
0x2e: {  	s3 =	simm.s32 @!p0 $0x1082;
	s9 =	sld [smem:$0x3FA8]  }
0x2f: {  	lr =	sadd.s32 s0, s3;
	s0 =	sld [smem:$0x3F9F]  }
0x30: {  	s3 =	sld [smem:$0x3FA2]  }
0x31: {  	[smem:$0x3FAB] =	sst s10  }
0x32: {  	s10 =	sld [smem:$0x3FA9];
	_ =	sdelay $0x3  }
0x33: {  	p0 =	seq.s32 s10, $0x1;
	s10 =	sld [smem:$0x3FAB];
	_ =	sdelay $0x3  }
0x34: {  	[smem:$0x3FAB] =	sst s10  }
0x35: {  	s10 =	sld [smem:$0x3FAA];
	_ =	sdelay $0x3  }
0x36: {  	p1 =	seq.s32 s10, $0x1;
	s10 =	sld [smem:$0x3FAB];
	_ =	sdelay $0x3  }
0x37: {  	[smem:$0x3FAB] =	sst s10  }
0x38: {  	s10 =	sld [smem:$0x3FAC]  }
0x39: {  	_ = 	snop;
	(pc) =	sbr.ind lr, $3  }
0x3a: {  	_ = 	snop  }
0x3b: {  	_ = 	snop  }
0x3c: {  	p2 =	seq.s32 s10, $0x1;
	s10 =	sld [smem:$0x3FAB]  }
0x3d: {  	_ =	shalt  }
0x3e: {  	_ =	shalt  }
0x3f: {  	_ =	shalt  }
0x40: {  	_ =	shalt  }
0x41: {  	_ =	shalt  }
0x42: {  	_ =	shalt  }
0x43: {  	_ =	shalt  }
0x44: {  	_ =	shalt  }
0x45: {  	_ =	shalt  }
0x46: {  	_ =	shalt  }
0x47: {  	_ =	shalt  }
0x48: {  	_ =	shalt  }
0x49: {  	_ =	shalt  }
0x4a: {  	_ =	shalt  }
0x4b: {  	_ =	shalt  }
0x4c: {  	_ =	shalt  }
0x4d: {  	_ =	shalt  }
0x4e: {  	_ =	shalt  }
0x4f: {  	_ =	shalt  }
0x50: {  	_ =	shalt  }
0x51: {  	_ =	shalt  }
0x52: {  	_ =	shalt  }
0x53: {  	_ =	shalt  }
0x54: {  	_ =	shalt  }
0x55: {  	_ =	shalt  }
0x56: {  	_ =	shalt  }
0x57: {  	_ =	shalt  }
0x58: {  	_ =	shalt  }
0x59: {  	_ =	shalt  }
0x5a: {  	_ =	shalt  }
0x5b: {  	_ =	shalt  }
0x5c: {  	_ =	shalt  }
0x5d: {  	_ =	shalt  }
0x5e: {  	_ =	shalt  }
0x5f: {  	_ =	shalt  }
0x60: {  	_ =	shalt  }
0x61: {  	_ =	shalt  }
0x62: {  	_ =	shalt  }
0x63: {  	_ =	shalt  }
0x64: {  	_ =	shalt  }
0x65: {  	_ =	shalt  }
0x66: {  	_ =	shalt  }
0x67: {  	_ =	shalt  }
0x68: {  	_ =	shalt  }
0x69: {  	_ =	shalt  }
0x6a: {  	_ =	shalt  }
0x6b: {  	_ =	shalt  }
0x6c: {  	_ =	shalt  }
0x6d: {  	_ =	shalt  }
0x6e: {  	_ =	shalt  }
0x6f: {  	_ =	shalt  }
0x70: {  	_ =	shalt  }
0x71: {  	_ =	shalt  }
0x72: {  	_ =	shalt  }
0x73: {  	_ =	shalt  }
0x74: {  	_ =	shalt  }
0x75: {  	_ =	shalt  }
0x76: {  	_ =	shalt  }
0x77: {  	_ =	shalt  }
0x78: {  	_ =	shalt  }
0x79: {  	_ =	shalt  }
0x7a: {  	_ =	shalt  }
0x7b: {  	_ =	shalt  }
0x7c: {  	_ =	shalt  }
0x7d: {  	_ =	shalt  }
0x7e: {  	_ =	shalt  }
0x7f: {  	_ =	shalt  }
0x80: {  	_ =	shalt  }
0x81: {  	_ =	shalt  }
0x82: {  	_ =	shalt  }
0x83: {  	_ =	shalt  }
0x84: {  	_ =	shalt  }
0x85: {  	_ =	shalt  }
0x86: {  	_ =	shalt  }
0x87: {  	_ =	shalt  }
.Lfunc_end0:
.L_simem_size_0:
called_computation.1_lowered:
.L_overlay_start_0:
0x88: {  	s2 =	sld [smem:$0x3FD9]  }
0x89: {  	s3 =	sld [smem:$0x3FFE];
	_ =	sdelay $0x1  }
0x8a: {  	s1 =	srdreg.scid  }
0x8b: {  	s0 =	sand.u32 $0x1, s1  }
0x8c: {  	s17 =	sshll.u32 s0, $0xA;
	s2 =	sadd.s32 s3, s2  }
0x8d: {  	s2 =	sadd.s32 s2, s17  }
0x8e: {  	[smem:$0x3FB7] =	sst s2  }
0x8f: {  	_ = 	snop  }
0x90: {  	s2 =	sld [smem:$0x3FC7];
	(tm) =	ssettm $0x1  }
0x91: {  	s18 =	sld [smem:$0x3FFB];
	_ =	sdelay $0x3  }
0x92: {  	_ =	strace s18  }
0x93: {  	s3 =	sld [smem:$0x3FFC];
	_ =	sdelay $0x3  }
0x94: {  	_ =	strace s3  }
0x95: {  	s3 =	sld [smem:$0x3FFD];
	_ =	sdelay $0x3  }
0x96: {  	_ =	strace s3  }
0x97: {  	_ =	strace $0x8FFFFFFF  }
0x98: {  	s19 =	sld [smem:$0x3FDB];
	_ =	sdelay $0x1  }
0x99: {  	s4 =	simm.s32 $_scs_section_size  }
0x9a: {  	s5 =	simm.s32 $_size__tile_overlayer_lowered;
	s6 =	simm.s32 $_tile_overlayer_lowered  }
0x9b: {  	s22 =	simm.s32 $0x1BFF;
	s21 =	sshll.u32 s6, $0x1;
	s3 =	sadd.s32 s4, s19  }
0x9c: {  	s7 =	simm.s32 $0x0;
	s20 =	sshll.u32 s5, $0x1;
	s5 =	sadd.s32 s21, s3  }
0x9d: {  	[timem:s7], [sflag:s22] =	dma.local [hbm:s5], s20  }
0x9e: {  	_ =	swait.ge [sflag:s22], s20  }
0x9f: {  	s4 =	ssub.s32 $0x0, s20;
	[sflag:s22] =	ssyncset.done $0x0  }
0xa0: {  	[sflag:s22] =	ssyncadd.s32 s4;
	_ =	sdelay $0x1  }
0xa1: {  	s23 =	simm.s32 $0x1B8B  }
0xa2: {  	_ =	swait.ge [sflag:s23], $0x1  }
0xa3: {  	[sflag:s23] =	ssyncset.done $0x0  }
0xa4: {  	s25 =	simm.s32 $0x1B8E;
	s24 =	sld [smem:$0x3FFE];
	[sflag:s23] =	ssyncadd.s32 $0xFFFFFFFF  }
0xa5: {  	s26 =	simm.s32 $execute0_lowered;
	[smem:$0x3FD2] =	sst s25  }
0xa6: {  	s5 =	sshll.u32 s26, $0x1;
	_ =	strace $0x80000049;
	[dreg:$0x1] =	wrdreg $0xFFFFFFFF  }
0xa7: {  	s28 =	simm.s32 $_size_execute0_lowered;
	s3 =	sadd.s32 s3, s5;
	[dreg:$0x0] =	wrdreg $0x0  }
0xa8: {  	s5 =	sshll.u32 s28, $0x1;
	[dreg:$0x2] =	wrdreg s3  }
0xa9: {  	[dreg:$0x3] =	wrdreg s5  }
0xaa: {  	[dreg:$0x4] =	wrdreg $0xC0  }
0xab: {  	_ =	task [dreg:s7], $0x5FFFF  }
0xac: {  	[dreg:$0x1] =	wrdreg $0xFFFFFFFF  }
0xad: {  	[dreg:$0x0] =	wrdreg $0x60  }
0xae: {  	[dreg:$0x2] =	wrdreg s2  }
0xaf: {  	[dreg:$0x3] =	wrdreg s24  }
0xb0: {  	[dreg:$0x4] =	wrdreg $0x20800  }
0xb1: {  	[dreg:$0x5] =	wrdreg $0x47900  }
0xb2: {  	[dreg:$0x6] =	wrdreg $0x9  }
0xb3: {  	_ =	task.clear_ibuf [dreg:s7], $0x7FFFF;
	_ =	strace $0x90000049  }
0xb4: {  	s29 =	simm.s32 $0x9;
	_ =	strace $0x8000004B  }
0xb5: {  	_ =	swait.ge [sflag:s29], $0x1  }
0xb6: {  	[sflag:s29] =	ssyncadd.s32 $0xFFFFFFFF  }
0xb7: {  	_ =	strace $0x9000004B  }
0xb8: {  	_ =	sfence  }
0xb9: {  	s30 =	sld [smem:$0x0];
	_ =	sdelay $0x2  }
0xba: {  	s31 =	sshll.u32 s1, $0xD;
	s1 =	sshrl.u32 s1, $0x2  }
0xbb: {  	s3 =	sand.u32 $0x4000, s31;
	s1 =	sadd.s32 s1, s30  }
0xbc: {  	s0 =	sor.u32 s3, s0;
	s1 =	sshll.u32 s1, $0x11  }
0xbd: {  	s0 =	sor.u32 s1, s0  }
0xbe: {  	s0 =	sadd.s32 $0x8F2B, s0  }
0xbf: {  	[sflag:s0] =	ssyncadd.remote.s32 $0x1  }
0xc0: {  	_ =	sfence.sel $0xFFFF  }
0xc1: {  	[dreg:$0x0] =	wrdreg $0xFFFFFFFF;
	(pc) =	sbr.abs _section_cstart, $3  }
0xc2: {  	[dreg:$0x1] =	wrdreg $0xFFFFFFFF  }
0xc3: {  	_ =	task.clear_ibuf [dreg:s7], $0x2FFFF;
	_ =	strace $0x9FFFFFFF  }
0xc4: {  	(tm) =	ssettm $0x7FFFFFFF  }
0xc5: {  	_ =	shalt  }
tec
execute0_lowered:
.L_overlay_start_1:
0x0: {  	(tag) =	ssettag $0x1  }
0x1: {  	s9 =	rddreg [dreg:$0x0]  }
0x2: {  	s6 =	rddreg [dreg:$0x1]  }
0x3: {  	s1 =	rddreg [dreg:$0x2]  }
0x4: {  	s2 =	rddreg [dreg:$0x3]  }
0x5: {  	s0 =	rddreg [dreg:$0x4]  }
0x6: {  	s3 =	simm.s32 $0x0;
	s12 =	stileid.u32;
	s4 =	srdreg.scid  }
0x7: {  	[smem:$0x7FF] =	sst s3;
	s5 =	smul.u32 $0x600, s12;
	s11 =	sand.u32 $0x1, s4  }
0x8: {  	s30 =	sshll.u32 s12, $0x9;
	s4 =	sadd.s32 $0x5600, s6;
	s16 =	sshll.u32 s12, $0x5  }
0x9: {  	p0 =	sne.s32 s12, $0x0;
	_ =	strace $0x8000004A;
	s7 =	smul.u32 $0x4E20, s11  }
0xa: {  	s8 =	sadd.s32 s30, s6;
	s10 =	smul.u32 $0xEA60, s11;
	s14 =	ssub.s32 $0x2, s11  }
0xb: {  	s15 =	sshll.u32 s11, $0x8;
	s16 =	sadd.s32 s16, s9;
	s17 =	smul.u32 $0x300, s11  }
0xc: {  	s11 =	sshll.u32 s11, $0x4;
	s13 =	sadd.s32 s5, s6;
	s5 =	sadd.s32 $0xA600, s6  }
0xd: {  	s31 =	sshrl.u32 s14, $0x1;
	s15 =	sadd.s32 s15, s8;
	s11 =	sadd.s32 s11, s16  }
0xe: {  	s7 =	sadd.s32 s7, s6;
	s10 =	sadd.s32 s10, s6;
	s14 =	ssub.s32 s14, s31  }
0xf: {  	s6 =	sshll.u32 s12, $0x1;
	s13 =	sadd.s32 s17, s13;
	s7 =	sadd.s32 $0x36800, s7  }
0x10: {  	s8 =	sadd.s32 $0x19200, s10;
	s9 =	smax.u32 s14, $0x1;
	s10 =	sadd.s32 $0xEFC00, s15  }
0x11: {  	s12 =	sadd.s32 $0x13DE00, s13;
	s13 =	sshrl.u32 @!p0 s1, $0x3;
	s14 =	sshrl.u32 @!p0 s2, $0x3  }
.LBB2_1:
0x12: {  	s15 =	simm.s32 @!p0 $0x1C03;
	s16 =	simm.s32 @!p0 $0x3  }
0x13: {  	[spmem:s13], [sflag:s15] =	dma.local @!p0 [hbm:s4], $0x4E20  }
0x14: {  	_ =	swait.ge @!p0 [sflag:s16], $0x4E20  }
0x15: {  	[sflag:s16] =	ssyncset.done @!p0 $0x0  }
0x16: {  	[sflag:s16] =	ssyncadd.s32 @!p0 $0xFFFFB1E0  }
0x17: {  	[spmem:s14], [sflag:s15] =	dma.local @!p0 [hbm:s5], $0xEA60  }
0x18: {  	_ =	swait.ge @!p0 [sflag:s16], $0xEA60  }
0x19: {  	s30 =	sadd.s32 $0x0, s6;
	[sflag:s16] =	ssyncset.done @!p0 $0x0  }
0x1a: {  	p1 =	sgt.u32 s30, $0x4E1;
	[sflag:s16] =	ssyncadd.s32 @!p0 $0xFFFF15A0  }
0x1b: {  	s17 =	simm.s32 @!p1 $0x0;
	s15 =	simm.s32 @!p1 $0x4;
	[bflag:$0x0] =	sbarrier.arrive $0xFFFF  }
0x1c: {  	[tilespmem:s17], [sflag:$0x4] =	stream.linear.gather @!p1 [hbm4b:s11+s17], $0x80, $0x38;
	[tilespmem:$0xBCC0] =	vst v63  }
0x1d: {  	_ =	swait.ge @!p1 [sflag:s15], $0x80  }
0x1e: {  	[sflag:s15] =	ssyncset.done @!p1 $0x0;
	p1 =	por p1, p1  }
0x1f: {  	[sflag:s15] =	ssyncadd.s32 @!p1 $0xFFFFFF80;
	s18 =	simm.s32 @!p1 $0x80  }
0x20: {  	[tilespmem:s18], [sflag:$0x1] =	stream.linear.gather @!p1 [hbm4b:s10+s17], $0x800, $0x38;
	[tilespmem:$0xBCC0] =	vst v63  }
0x21: {  	s20 =	simm.s32 @!p1 $0x880;
	s16 =	simm.s32 @!p1 $0x1  }
0x22: {  	[tilespmem:s20], [sflag:$0x2] =	stream.linear.gather @!p1 [hbm4b:s12+s17], $0x1800, $0x38;
	[tilespmem:$0xBCC0] =	vst v63  }
0x23: {  	_ =	swait.ge @!p1 [sflag:s16], $0x800  }
0x24: {  	[sflag:s16] =	ssyncset.done @!p1 $0x0  }
0x25: {  	[sflag:s16] =	ssyncadd.s32 @!p1 $0xFFFFF800;
	s16 =	simm.s32 @!p1 $0x2  }
0x26: {  	_ =	swait.ge @!p1 [sflag:s16], $0x1800  }
0x27: {  	[sflag:s16] =	ssyncset.done @!p1 $0x0  }
0x28: {  	[sflag:s16] =	ssyncadd.s32 @!p1 $0xFFFFE800  }
0x29: {  	[spmem:s1] =	stream.indirect.scatter.add.f32 @!p1 [tilespmem:s18], [sflag:$0x4], $0x10, s17, s18, $0xb8;
	[tilespmem:$0xBCC0] =	vst v63  }
0x2a: {  	_ =	swait.ge @!p1 [sflag:s15], $0x800  }
0x2b: {  	s31 =	sadd.s32 $0x20, s6;
	[sflag:s15] =	ssyncset.done @!p1 $0x0  }
0x2c: {  	p3 =	sgt.u32 s31, $0x4E1;
	s19 =	simm.s32 @!p1 $0x3;
	[sflag:s15] =	ssyncadd.s32 @!p1 $0xFFFFF800  }
0x2d: {  	[spmem:s2] =	stream.indirect.scatter.add.f32 @!p1 [tilespmem:s20], [sflag:$0x3], $0x30, s17, s18, $0xb8;
	[tilespmem:$0xBCC0] =	vst v63  }
0x2e: {  	s16 =	simm.s32 $0x40;
	s15 =	sadd.s32 $0x6000, s12;
	_ =	swait.ge @!p1 [sflag:s19], $0x1800  }
0x2f: {  	s18 =	sadd.s32 $0x200, s11;
	s17 =	sadd.s32 $0x2000, s10;
	[sflag:s19] =	ssyncset.done @!p1 $0x0  }
.LBB2_2:
0x30: {  	s20 =	simm.s32 @!p3 $0x0;
	s21 =	simm.s32 @!p3 $0x4;
	[sflag:s19] =	ssyncadd.s32 @!p1 $0xFFFFE800  }
0x31: {  	[tilespmem:s20], [sflag:$0x4] =	stream.linear.gather @!p3 [hbm4b:s18+s20], $0x80, $0x38;
	[tilespmem:$0xBCC0] =	vst v63  }
0x32: {  	s22 =	smov.u32 s16;
	s16 =	sadd.s32 $0x20, s16;
	_ =	swait.ge @!p3 [sflag:s21], $0x80  }
0x33: {  	p1 =	por p3, p3;
	p2 =	sne.s32 s16, $0x500;
	[sflag:s21] =	ssyncset.done @!p3 $0x0  }
0x34: {  	s23 =	simm.s32 @!p1 $0x80;
	[sflag:s21] =	ssyncadd.s32 @!p1 $0xFFFFFF80  }
0x35: {  	[tilespmem:s23], [sflag:$0x1] =	stream.linear.gather @!p1 [hbm4b:s17+s20], $0x800, $0x38;
	[tilespmem:$0xBCC0] =	vst v63  }
0x36: {  	s24 =	simm.s32 @!p1 $0x880;
	s19 =	simm.s32 @!p1 $0x1  }
0x37: {  	[tilespmem:s24], [sflag:$0x2] =	stream.linear.gather @!p1 [hbm4b:s15+s20], $0x1800, $0x38;
	[tilespmem:$0xBCC0] =	vst v63  }
0x38: {  	_ =	swait.ge @!p1 [sflag:s19], $0x800  }
0x39: {  	[sflag:s19] =	ssyncset.done @!p1 $0x0  }
0x3a: {  	[sflag:s19] =	ssyncadd.s32 @!p1 $0xFFFFF800;
	s19 =	simm.s32 @!p1 $0x2  }
0x3b: {  	_ =	swait.ge @!p1 [sflag:s19], $0x1800  }
0x3c: {  	[sflag:s19] =	ssyncset.done @!p1 $0x0  }
0x3d: {  	[sflag:s19] =	ssyncadd.s32 @!p1 $0xFFFFE800  }
0x3e: {  	[spmem:s1] =	stream.indirect.scatter.add.f32 @!p1 [tilespmem:s23], [sflag:$0x4], $0x10, s20, s23, $0xb8;
	[tilespmem:$0xBCC0] =	vst v63  }
0x3f: {  	_ =	swait.ge @!p1 [sflag:s21], $0x800  }
.Ltmp0:
0x40: {  	[sflag:s21] =	ssyncset.done @!p1 $0x0;
	(pc) =	sbr.rel @p2 .LBB2_2-.Ltmp0, $4  }
0x41: {  	s15 =	sadd.s32 $0x6000, s15;
	s19 =	simm.s32 @!p1 $0x3;
	[sflag:s21] =	ssyncadd.s32 @!p1 $0xFFFFF800  }
0x42: {  	[spmem:s2] =	stream.indirect.scatter.add.f32 @!p1 [tilespmem:s24], [sflag:$0x3], $0x30, s20, s23, $0xb8;
	[tilespmem:$0xBCC0] =	vst v63  }
0x43: {  	s18 =	sadd.s32 $0x200, s18;
	s20 =	sadd.s32 s22, s6;
	_ =	swait.ge @!p1 [sflag:s19], $0x1800  }
0x44: {  	s17 =	sadd.s32 $0x2000, s17;
	p3 =	sgt.u32 s20, $0x4E1;
	[sflag:s19] =	ssyncset.done @!p1 $0x0  }
0x45: {  	s16 =	simm.s32 @!p3 $0x0;
	s20 =	simm.s32 @!p3 $0x4;
	[sflag:s19] =	ssyncadd.s32 @!p1 $0xFFFFE800  }
0x46: {  	[tilespmem:s16], [sflag:$0x4] =	stream.linear.gather @!p3 [hbm4b:s18+s16], $0x80, $0x38;
	[tilespmem:$0xBCC0] =	vst v63  }
0x47: {  	_ =	swait.ge @!p3 [sflag:s20], $0x80  }
0x48: {  	p1 =	por p3, p3;
	[sflag:s20] =	ssyncset.done @!p3 $0x0  }
0x49: {  	s18 =	simm.s32 @!p1 $0x80;
	[sflag:s20] =	ssyncadd.s32 @!p1 $0xFFFFFF80  }
0x4a: {  	[tilespmem:s18], [sflag:$0x1] =	stream.linear.gather @!p1 [hbm4b:s17+s16], $0x800, $0x38;
	[tilespmem:$0xBCC0] =	vst v63  }
0x4b: {  	s19 =	simm.s32 @!p1 $0x1;
	s17 =	simm.s32 @!p1 $0x880  }
0x4c: {  	[tilespmem:s17], [sflag:$0x2] =	stream.linear.gather @!p1 [hbm4b:s15+s16], $0x1800, $0x38;
	[tilespmem:$0xBCC0] =	vst v63  }
0x4d: {  	_ =	swait.ge @!p1 [sflag:s19], $0x800  }
0x4e: {  	[sflag:s19] =	ssyncset.done @!p1 $0x0  }
0x4f: {  	s15 =	simm.s32 @!p1 $0x2;
	[sflag:s19] =	ssyncadd.s32 @!p1 $0xFFFFF800  }
0x50: {  	_ =	swait.ge @!p1 [sflag:s15], $0x1800  }
0x51: {  	[sflag:s15] =	ssyncset.done @!p1 $0x0  }
0x52: {  	[sflag:s15] =	ssyncadd.s32 @!p1 $0xFFFFE800  }
0x53: {  	[spmem:s1] =	stream.indirect.scatter.add.f32 @!p1 [tilespmem:s18], [sflag:$0x4], $0x10, s16, s18, $0xb8;
	[tilespmem:$0xBCC0] =	vst v63  }
0x54: {  	_ =	swait.ge @!p1 [sflag:s20], $0x800  }
0x55: {  	[sflag:s20] =	ssyncset.done @!p1 $0x0  }
0x56: {  	s15 =	simm.s32 @!p1 $0x3;
	[sflag:s20] =	ssyncadd.s32 @!p1 $0xFFFFF800  }
0x57: {  	[spmem:s2] =	stream.indirect.scatter.add.f32 @!p1 [tilespmem:s17], [sflag:$0x3], $0x30, s16, s18, $0xb8;
	[tilespmem:$0xBCC0] =	vst v63  }
0x58: {  	_ =	swait.ge @!p1 [sflag:s15], $0x1800  }
0x59: {  	[sflag:s15] =	ssyncset.done @!p1 $0x0  }
0x5a: {  	[sflag:s15] =	ssyncadd.s32 @!p1 $0xFFFFE800  }
0x5b: {  	s16 =	simm.s32 @!p0 $0x3;
	s15 =	simm.s32 @!p0 $0x1C03;
	[bflag:$0x0] =	sbarrier.arrive $0xFFFF  }
0x5c: {  	[hbm:s7], [sflag:s15] =	dma.local @!p0 [spmem:s13], $0x4E20  }
0x5d: {  	s3 =	sadd.s32 $0x1, s3;
	_ =	swait.ge @!p0 [sflag:s16], $0x4E20  }
0x5e: {  	p1 =	sne.s32 s3, s9;
	[sflag:s16] =	ssyncset.done @!p0 $0x0  }
.Ltmp1:
0x5f: {  	[sflag:s16] =	ssyncadd.s32 @!p0 $0xFFFFB1E0;
	(pc) =	sbr.rel @p1 .LBB2_1-.Ltmp1, $4  }
0x60: {  	[hbm:s8], [sflag:s15] =	dma.local @!p0 [spmem:s14], $0xEA60  }
0x61: {  	_ =	swait.ge @!p0 [sflag:s16], $0xEA60  }
0x62: {  	[sflag:s16] =	ssyncset.done @!p0 $0x0  }
0x63: {  	[sflag:s16] =	ssyncadd.s32 @!p0 $0xFFFF15A0  }
0x64: {  	_ =	sfence.sel $0x180000  }
0x65: {  	[bflag:$0x0] =	sbarrier.arrive $0xFFFF  }
0x66: {  	_ =	strace $0x9000004A  }
0x67: {  	s0 =	sadd.s32 @!p0 $0x100000, s0;
	[bflag:$0x2] =	sbarrier.arrive $0xFFFF  }
0x68: {  	[sflag:s0] =	ssyncadd.tile.s32 @!p0 $0x1;
	_ =	shalt  }
.Lfunc_end2:
_tile_overlayer_lowered:
.L_overlay_start_2:
0x69: {  	(tag) =	ssettag $0x2  }
0x6a: {  	s0 =	rddreg [dreg:$0x0];
	s2 =	stileid.u32  }
0x6b: {  	s1 =	rddreg [dreg:$0x1];
	p0 =	sne.s32 s2, $0x0  }
0x6c: {  	s3 =	rddreg [dreg:$0x2];
	[bflag:$0x3] =	sbarrier.arrive $0xFFFF;
	s2 =	simm.s32 @!p0 $0x1C03  }
0x6d: {  	[timem:s3], [sflag:s2] =	dma.local @!p0 [hbm:s0], s1  }
0x6e: {  	s0 =	simm.s32 @!p0 $0x3  }
0x6f: {  	_ =	swait.ge @!p0 [sflag:s0], s1  }
0x70: {  	s1 =	ssub.s32 @!p0 $0x0, s1;
	[sflag:s0] =	ssyncset.done @!p0 $0x0  }
0x71: {  	[sflag:s0] =	ssyncadd.s32 @!p0 s1  }
0x72: {  	[bflag:$0x3] =	sbarrier.arrive $0xFFFF  }
0x73: {  	_ =	shalt  }

// kernel: kernel.7.cloned.1.call-start
scs
__scs_entry_jumppad:
0x0: {  	(pc) =	sbr.rel $0x88, $3  }
0x1: {  	(tag) =	ssettag $0x0;
	lr =	simm.s32 $0x1  }
0x2: {  	[smem:$0x3F90] =	sst lr;
	_ =	strace $0xD0000000  }
0x3: {  	_ = 	snop  }
0x4: {  	_ = 	snop  }
0x5: {  	_ = 	snop  }
0x6: {  	_ = 	snop  }
0x7: {  	_ = 	snop  }
__scs_overlays_trampoline_lowered:
0x8: {  	[smem:$0x3F9F] =	sst s0  }
0x9: {  	[smem:$0x3FA0] =	sst s1  }
0xa: {  	[smem:$0x3FA1] =	sst s2  }
0xb: {  	[smem:$0x3FA2] =	sst s3  }
0xc: {  	[smem:$0x3FA3] =	sst s4  }
0xd: {  	[smem:$0x3FA4] =	sst s5  }
0xe: {  	[smem:$0x3FA5] =	sst s6  }
0xf: {  	[smem:$0x3FA6] =	sst s7  }
0x10: {  	[smem:$0x3FA7] =	sst s8  }
0x11: {  	[smem:$0x3FA8] =	sst s9;
	s0 =	simm.s32 @!p0 $0x0  }
0x12: {  	s1 =	sld [smem:$0x3F8E];
	s0 =	simm.s32 @p0 $0x1  }
0x13: {  	[smem:$0x3FA9] =	sst s0;
	s0 =	simm.s32 @!p1 $0x0  }
0x14: {  	s2 =	sld [smem:$0x3F8D];
	s0 =	simm.s32 @p1 $0x1  }
0x15: {  	[smem:$0x3FAA] =	sst s0;
	s0 =	simm.s32 @!p2 $0x0  }
0x16: {  	s3 =	sld [smem:$0x3FDB];
	s0 =	simm.s32 @p2 $0x1  }
0x17: {  	s4 =	simm.s32 $0x1BF5;
	[smem:$0x3FAC] =	sst s0  }
0x18: {  	s0 =	sld [smem:$0x3F8F];
	_ =	swait.ge [sflag:s4], $0x0  }
0x19: {  	s7 =	sld [smem:$0x3F90]  }
0x1a: {  	s8 =	sadd.s32 $0xFFFFE003, lr  }
0x1b: {  	s9 =	sadd.s32 $0xFFFFFEF7, lr;
	s5 =	simm.s32 $0xFFFFFFFF;
	p2 =	slt.u32 s8, $0xFFFFF086  }
0x1c: {  	p1 =	slt.u32 s9, $0xF7A;
	s5 =	simm.s32 @!p2 $0x0  }
0x1d: {  	s5 =	simm.s32 @p1 $0x1;
	p0 =	seq.s32 s7, s2  }
0x1e: {  	s7 =	smul.u32 @!p0 $0xF7A, s2;
	p2 =	seq.s32 @!p0 s5, $0x0  }
0x1f: {  	s9 =	smul.u32 $0xF7A, s1;
	s8 =	simm.s32 @!p0 $0x1BF5;
	p2 =	por !p2, p0  }
0x20: {  	[sflag:s8] =	ssyncset.s32 @!p0 $0xFFFFF086;
	s6 =	sadd.s32 @!p0 s3, s7;
	s7 =	simm.s32 @!p0 $0x108  }
0x21: {  	s3 =	sadd.s32 s3, s9;
	s6 =	sadd.s32 @!p0 $0x88, s6;
	s7 =	simm.s32 @p2 $0x1082  }
0x22: {  	[simem:s7], [sflag:s8] =	dma.local @!p0 [hbm:s6], $0xF7A  }
0x23: {  	s9 =	sor.u32 $0xD0000000, s2;
	s6 =	simm.s32 $0x108;
	_ =	swait.ge @!p0 [sflag:s8], $0x0  }
0x24: {  	s3 =	sadd.s32 $0x88, s3;
	s6 =	simm.s32 @!p1 $0x1082;
	[sflag:s4] =	ssyncset.s32 $0xFFFFF086  }
0x25: {  	[simem:s6], [sflag:s4] =	dma.local [hbm:s3], $0xF7A  }
0x26: {  	[smem:$0x3F90] =	sst s1;
	(tag) =	ssettag s2;
	_ =	strace s9  }
0x27: {  	s1 =	sld [smem:$0x3FA0]  }
0x28: {  	s2 =	sld [smem:$0x3FA1]  }
0x29: {  	s4 =	sld [smem:$0x3FA3]  }
0x2a: {  	p0 =	seq.s32 s5, $0x0;
	s5 =	sld [smem:$0x3FA4]  }
0x2b: {  	s6 =	sld [smem:$0x3FA5]  }
0x2c: {  	s7 =	sld [smem:$0x3FA6]  }
0x2d: {  	s3 =	simm.s32 $0x108;
	s8 =	sld [smem:$0x3FA7]  }
0x2e: {  	s3 =	simm.s32 @!p0 $0x1082;
	s9 =	sld [smem:$0x3FA8]  }
0x2f: {  	lr =	sadd.s32 s0, s3;
	s0 =	sld [smem:$0x3F9F]  }
0x30: {  	s3 =	sld [smem:$0x3FA2]  }
0x31: {  	[smem:$0x3FAB] =	sst s10  }
0x32: {  	s10 =	sld [smem:$0x3FA9];
	_ =	sdelay $0x3  }
0x33: {  	p0 =	seq.s32 s10, $0x1;
	s10 =	sld [smem:$0x3FAB];
	_ =	sdelay $0x3  }
0x34: {  	[smem:$0x3FAB] =	sst s10  }
0x35: {  	s10 =	sld [smem:$0x3FAA];
	_ =	sdelay $0x3  }
0x36: {  	p1 =	seq.s32 s10, $0x1;
	s10 =	sld [smem:$0x3FAB];
	_ =	sdelay $0x3  }
0x37: {  	[smem:$0x3FAB] =	sst s10  }
0x38: {  	s10 =	sld [smem:$0x3FAC]  }
0x39: {  	_ = 	snop;
	(pc) =	sbr.ind lr, $3  }
0x3a: {  	_ = 	snop  }
0x3b: {  	_ = 	snop  }
0x3c: {  	p2 =	seq.s32 s10, $0x1;
	s10 =	sld [smem:$0x3FAB]  }
0x3d: {  	_ =	shalt  }
0x3e: {  	_ =	shalt  }
0x3f: {  	_ =	shalt  }
0x40: {  	_ =	shalt  }
0x41: {  	_ =	shalt  }
0x42: {  	_ =	shalt  }
0x43: {  	_ =	shalt  }
0x44: {  	_ =	shalt  }
0x45: {  	_ =	shalt  }
0x46: {  	_ =	shalt  }
0x47: {  	_ =	shalt  }
0x48: {  	_ =	shalt  }
0x49: {  	_ =	shalt  }
0x4a: {  	_ =	shalt  }
0x4b: {  	_ =	shalt  }
0x4c: {  	_ =	shalt  }
0x4d: {  	_ =	shalt  }
0x4e: {  	_ =	shalt  }
0x4f: {  	_ =	shalt  }
0x50: {  	_ =	shalt  }
0x51: {  	_ =	shalt  }
0x52: {  	_ =	shalt  }
0x53: {  	_ =	shalt  }
0x54: {  	_ =	shalt  }
0x55: {  	_ =	shalt  }
0x56: {  	_ =	shalt  }
0x57: {  	_ =	shalt  }
0x58: {  	_ =	shalt  }
0x59: {  	_ =	shalt  }
0x5a: {  	_ =	shalt  }
0x5b: {  	_ =	shalt  }
0x5c: {  	_ =	shalt  }
0x5d: {  	_ =	shalt  }
0x5e: {  	_ =	shalt  }
0x5f: {  	_ =	shalt  }
0x60: {  	_ =	shalt  }
0x61: {  	_ =	shalt  }
0x62: {  	_ =	shalt  }
0x63: {  	_ =	shalt  }
0x64: {  	_ =	shalt  }
0x65: {  	_ =	shalt  }
0x66: {  	_ =	shalt  }
0x67: {  	_ =	shalt  }
0x68: {  	_ =	shalt  }
0x69: {  	_ =	shalt  }
0x6a: {  	_ =	shalt  }
0x6b: {  	_ =	shalt  }
0x6c: {  	_ =	shalt  }
0x6d: {  	_ =	shalt  }
0x6e: {  	_ =	shalt  }
0x6f: {  	_ =	shalt  }
0x70: {  	_ =	shalt  }
0x71: {  	_ =	shalt  }
0x72: {  	_ =	shalt  }
0x73: {  	_ =	shalt  }
0x74: {  	_ =	shalt  }
0x75: {  	_ =	shalt  }
0x76: {  	_ =	shalt  }
0x77: {  	_ =	shalt  }
0x78: {  	_ =	shalt  }
0x79: {  	_ =	shalt  }
0x7a: {  	_ =	shalt  }
0x7b: {  	_ =	shalt  }
0x7c: {  	_ =	shalt  }
0x7d: {  	_ =	shalt  }
0x7e: {  	_ =	shalt  }
0x7f: {  	_ =	shalt  }
0x80: {  	_ =	shalt  }
0x81: {  	_ =	shalt  }
0x82: {  	_ =	shalt  }
0x83: {  	_ =	shalt  }
0x84: {  	_ =	shalt  }
0x85: {  	_ =	shalt  }
0x86: {  	_ =	shalt  }
0x87: {  	_ =	shalt  }
.Lfunc_end0:
.L_simem_size_0:
called_computation_lowered:
.L_overlay_start_0:
0x88: {  	s2 =	sld [smem:$0x3FD9]  }
0x89: {  	s3 =	sld [smem:$0x3FFE];
	_ =	sdelay $0x1  }
0x8a: {  	s1 =	srdreg.scid  }
0x8b: {  	s0 =	sand.u32 $0x1, s1  }
0x8c: {  	s14 =	sshll.u32 s0, $0xA;
	s2 =	sadd.s32 s3, s2  }
0x8d: {  	s2 =	sadd.s32 s2, s14  }
0x8e: {  	[smem:$0x3FB7] =	sst s2  }
0x8f: {  	_ = 	snop  }
0x90: {  	s2 =	sld [smem:$0x3FD0];
	_ =	sdelay $0x1  }
0x91: {  	s15 =	sld [smem:$0x3FC7]  }
0x92: {  	s5 =	simm.s32 $0xA;
	s6 =	simm.s32 $0x10;
	s4 =	sld [smem:$0x3FC6]  }
0x93: {  	[smem:s6], [sflag:s5] =	dma.local [hbm:s2], $0x1  }
0x94: {  	_ =	swait.eq [sflag:s5], $0x1  }
0x95: {  	[sflag:s5] =	ssyncset.done $0x0  }
0x96: {  	[sflag:s5] =	ssyncadd.s32 $0xFFFFFFFF  }
0x97: {  	s16 =	sld [smem:$0x11];
	(tm) =	ssettm $0x1  }
0x98: {  	s17 =	sld [smem:$0x3FFB];
	_ =	sdelay $0x3  }
0x99: {  	_ =	strace s17  }
0x9a: {  	s5 =	sld [smem:$0x3FFC];
	_ =	sdelay $0x3  }
0x9b: {  	_ =	strace s5  }
0x9c: {  	s5 =	sld [smem:$0x3FFD];
	_ =	sdelay $0x3  }
0x9d: {  	_ =	strace s5  }
0x9e: {  	_ =	strace $0x8FFFFFFF  }
0x9f: {  	s18 =	sld [smem:$0x3FDB];
	_ =	sdelay $0x1  }
0xa0: {  	s19 =	simm.s32 $_scs_section_size  }
0xa1: {  	s7 =	simm.s32 $_size__tile_overlayer_lowered;
	s8 =	simm.s32 $_tile_overlayer_lowered  }
0xa2: {  	s22 =	simm.s32 $0x1BFF;
	s21 =	sshll.u32 s8, $0x1;
	s5 =	sadd.s32 s19, s18  }
0xa3: {  	s9 =	simm.s32 $0x0;
	s20 =	sshll.u32 s7, $0x1;
	s7 =	sadd.s32 s21, s5  }
0xa4: {  	[timem:s9], [sflag:s22] =	dma.local [hbm:s7], s20  }
0xa5: {  	_ =	swait.ge [sflag:s22], s20  }
0xa6: {  	s6 =	ssub.s32 $0x0, s20;
	[sflag:s22] =	ssyncset.done $0x0  }
0xa7: {  	[sflag:s22] =	ssyncadd.s32 s6;
	_ =	sdelay $0x1  }
0xa8: {  	s23 =	simm.s32 $0x1B8B  }
0xa9: {  	_ =	swait.ge [sflag:s23], $0x1  }
0xaa: {  	[sflag:s23] =	ssyncset.done $0x0  }
0xab: {  	s25 =	simm.s32 $0x1B8E;
	s24 =	sld [smem:$0x3FFE];
	[sflag:s23] =	ssyncadd.s32 $0xFFFFFFFF  }
0xac: {  	s26 =	simm.s32 $execute0_lowered;
	[smem:$0x3FD2] =	sst s25  }
0xad: {  	s7 =	sshll.u32 s26, $0x1;
	_ =	strace $0x80000046;
	[dreg:$0x1] =	wrdreg $0xFFFFFFFF  }
0xae: {  	s28 =	simm.s32 $_size_execute0_lowered;
	s5 =	sadd.s32 s5, s7;
	[dreg:$0x0] =	wrdreg $0x0  }
0xaf: {  	s7 =	sshll.u32 s28, $0x1;
	[dreg:$0x2] =	wrdreg s5  }
0xb0: {  	[dreg:$0x3] =	wrdreg s7  }
0xb1: {  	[dreg:$0x4] =	wrdreg $0xC0  }
0xb2: {  	_ =	task [dreg:s9], $0x5FFFF  }
0xb3: {  	[dreg:$0x1] =	wrdreg $0xFFFFFFFF  }
0xb4: {  	[dreg:$0x0] =	wrdreg $0x60  }
0xb5: {  	[dreg:$0x2] =	wrdreg s24  }
0xb6: {  	[dreg:$0x3] =	wrdreg s16  }
0xb7: {  	[dreg:$0x4] =	wrdreg s15  }
0xb8: {  	[dreg:$0x5] =	wrdreg s4  }
0xb9: {  	[dreg:$0x6] =	wrdreg $0x9  }
0xba: {  	_ =	task.clear_ibuf [dreg:s9], $0x7FFFF;
	_ =	strace $0x90000046  }
0xbb: {  	s29 =	simm.s32 $0x9;
	_ =	strace $0x80000048  }
0xbc: {  	_ =	swait.ge [sflag:s29], $0x1  }
0xbd: {  	[sflag:s29] =	ssyncadd.s32 $0xFFFFFFFF  }
0xbe: {  	_ =	strace $0x90000048  }
0xbf: {  	_ =	sfence  }
0xc0: {  	s30 =	sld [smem:$0x0];
	_ =	sdelay $0x2  }
0xc1: {  	s31 =	sshll.u32 s1, $0xD;
	s1 =	sshrl.u32 s1, $0x2  }
0xc2: {  	s3 =	sand.u32 $0x4000, s31;
	s1 =	sadd.s32 s1, s30  }
0xc3: {  	s0 =	sor.u32 s3, s0;
	s1 =	sshll.u32 s1, $0x11  }
0xc4: {  	s0 =	sor.u32 s1, s0  }
0xc5: {  	s0 =	sadd.s32 $0x8F2B, s0  }
0xc6: {  	[sflag:s0] =	ssyncadd.remote.s32 $0x1  }
0xc7: {  	_ =	sfence.sel $0xFFFF  }
0xc8: {  	[dreg:$0x0] =	wrdreg $0xFFFFFFFF;
	(pc) =	sbr.abs _section_cstart, $3  }
0xc9: {  	[dreg:$0x1] =	wrdreg $0xFFFFFFFF  }
0xca: {  	_ =	task.clear_ibuf [dreg:s9], $0x2FFFF;
	_ =	strace $0x9FFFFFFF  }
0xcb: {  	(tm) =	ssettm $0x7FFFFFFF  }
tec
execute0_lowered:
.L_overlay_start_1:
0x0: {  	(tag) =	ssettag $0x1  }
0x1: {  	s6 =	rddreg [dreg:$0x0]  }
0x2: {  	s1 =	rddreg [dreg:$0x1]  }
0x3: {  	s10 =	rddreg [dreg:$0x2]  }
0x4: {  	s9 =	rddreg [dreg:$0x3]  }
0x5: {  	s0 =	rddreg [dreg:$0x4]  }
0x6: {  	s3 =	simm.s32 $0x0;
	s2 =	stileid.u32;
	s7 =	srdreg.scid  }
0x7: {  	[smem:$0x7FF] =	sst s3;
	s4 =	sadd.s32 $0x5600, s6;
	s5 =	sadd.s32 $0xA600, s6  }
0x8: {  	s8 =	smul.u32 $0x600, s2;
	s11 =	sand.u32 $0x1, s7;
	s23 =	sshll.u32 s2, $0x9  }
0x9: {  	s29 =	sshll.u32 s2, $0x5;
	_ =	strace $0x80000047;
	s12 =	ssub.s32 $0x2, s11  }
0xa: {  	s13 =	smul.u32 $0x300, s11;
	s14 =	sadd.s32 s23, s6;
	s9 =	sadd.s32 s29, s9  }
0xb: {  	s30 =	sshll.u32 s11, $0x4;
	s11 =	sshll.u32 s11, $0x8;
	s10 =	sadd.s32 s29, s10  }
0xc: {  	s24 =	sadd.s32 s8, s6;
	s25 =	sshrl.u32 s12, $0x1;
	s6 =	sshll.u32 s2, $0x1  }
0xd: {  	s9 =	sadd.s32 s30, s9;
	s31 =	sadd.s32 s11, s14;
	s10 =	sadd.s32 s30, s10  }
0xe: {  	s26 =	ssub.s32 s12, s25;
	s28 =	sadd.s32 s13, s24;
	s11 =	sadd.s32 $0x147E00, s31  }
0xf: {  	s12 =	sadd.s32 $0xF9C00, s31;
	s7 =	smax.u32 s26, $0x1;
	s8 =	sadd.s32 $0xF600, s28  }
.LBB2_1:
0x10: {  	p0 =	sgt.u32 s6, $0x4E1  }
0x11: {  	s13 =	sadd.s32 @!p0 $0x0, s10;
	s14 =	simm.s32 @!p0 $0x0;
	s15 =	simm.s32 @!p0 $0x5  }
0x12: {  	[tilespmem:s14], [sflag:$0x5] =	stream.linear.gather @!p0 [hbm4b:s13+s14], $0x80, $0x38;
	[tilespmem:$0x2900] =	vst v63  }
0x13: {  	_ =	swait.ge @!p0 [sflag:s15], $0x80;
	p0 =	por p0, p0  }
0x14: {  	[sflag:s15] =	ssyncset.done @!p0 $0x0  }
0x15: {  	s13 =	sadd.s32 @!p0 $0x0, s9;
	s16 =	simm.s32 @!p0 $0x80;
	[sflag:s15] =	ssyncadd.s32 @!p0 $0xFFFFFF80  }
0x16: {  	[tilespmem:s16], [sflag:$0x5] =	stream.linear.gather @!p0 [hbm4b:s13+s14], $0x80, $0x38;
	[tilespmem:$0x2900] =	vst v63  }
0x17: {  	_ =	swait.ge @!p0 [sflag:s15], $0x80  }
0x18: {  	[sflag:s15] =	ssyncset.done @!p0 $0x0  }
0x19: {  	s13 =	simm.s32 @!p0 $0x100;
	[sflag:s15] =	ssyncadd.s32 @!p0 $0xFFFFFF80  }
0x1a: {  	[tilespmem:s13], [sflag:$0x1] =	stream.indirect.gather @!p0 [hbm4b:s4+s16], $0x10, s14, s16, $0xb8;
	[tilespmem:$0x2900] =	vst v63  }
0x1b: {  	s17 =	simm.s32 @!p0 $0x900  }
0x1c: {  	[tilespmem:s17], [sflag:$0x2] =	stream.indirect.gather @!p0 [hbm4b:s5+s16], $0x10, s16, s16, $0xb8;
	[tilespmem:$0x2900] =	vst v63  }
0x1d: {  	s18 =	simm.s32 @!p0 $0x1100;
	s19 =	simm.s32 @!p0 $0x1  }
0x1e: {  	[tilespmem:s18], [sflag:$0x3] =	stream.indirect.gather @!p0 [hbm4b:s1+s16], $0x30, s16, s16, $0xb8;
	[tilespmem:$0x2900] =	vst v63  }
0x1f: {  	_ =	swait.ge @!p0 [sflag:s19], $0x800  }
0x20: {  	[sflag:s19] =	ssyncset.done @!p0 $0x0  }
0x21: {  	s16 =	simm.s32 @!p0 $0x2;
	[sflag:s19] =	ssyncadd.s32 @!p0 $0xFFFFF800  }
0x22: {  	_ =	swait.ge @!p0 [sflag:s16], $0x800  }
0x23: {  	[sflag:s16] =	ssyncset.done @!p0 $0x0  }
0x24: {  	[sflag:s16] =	ssyncadd.s32 @!p0 $0xFFFFF800;
	s16 =	simm.s32 @!p0 $0x3  }
0x25: {  	_ =	swait.ge @!p0 [sflag:s16], $0x1800  }
0x26: {  	[sflag:s16] =	ssyncset.done @!p0 $0x0  }
0x27: {  	[sflag:s16] =	ssyncadd.s32 @!p0 $0xFFFFE800  }
0x28: {  	[hbm4b:s12+s14] =	stream.linear.scatter @!p0 [tilespmem:s13], [sflag:$0x5], $0x800, $0x38;
	[tilespmem:$0x2900] =	vst v63  }
0x29: {  	_ =	swait.ge @!p0 [sflag:s15], $0x800  }
0x2a: {  	[sflag:s15] =	ssyncset.done @!p0 $0x0  }
0x2b: {  	[sflag:s15] =	ssyncadd.s32 @!p0 $0xFFFFF800  }
0x2c: {  	[hbm4b:s11+s14] =	stream.linear.scatter @!p0 [tilespmem:s17], [sflag:$0x5], $0x800, $0x38;
	[tilespmem:$0x2900] =	vst v63  }
0x2d: {  	_ =	swait.ge @!p0 [sflag:s15], $0x800  }
0x2e: {  	s21 =	simm.s32 @!p0 $0x4;
	[sflag:s15] =	ssyncset.done @!p0 $0x0  }
0x2f: {  	s16 =	simm.s32 $0x200;
	s13 =	sadd.s32 $0x2000, s11;
	[sflag:s15] =	ssyncadd.s32 @!p0 $0xFFFFF800  }
0x30: {  	[hbm4b:s8+s14] =	stream.linear.scatter @!p0 [tilespmem:s18], [sflag:$0x4], $0x1800, $0x38;
	[tilespmem:$0x2900] =	vst v63  }
0x31: {  	s17 =	simm.s32 $0x400;
	s15 =	sadd.s32 $0x2000, s12;
	s18 =	sadd.s32 $0x20, s6  }
0x32: {  	s14 =	sadd.s32 $0x6000, s8;
	p2 =	sgt.u32 s18, $0x4E1;
	_ =	swait.ge @!p0 [sflag:s21], $0x1800  }
.LBB2_2:
0x33: {  	s22 =	sadd.s32 @!p2 s16, s10  }
0x34: {  	s19 =	simm.s32 @!p2 $0x0;
	[sflag:s21] =	ssyncset.done @!p0 $0x0;
	s23 =	smov.u32 s17  }
0x35: {  	s17 =	sadd.s32 $0x200, s17;
	s20 =	simm.s32 @!p2 $0x5;
	[sflag:s21] =	ssyncadd.s32 @!p0 $0xFFFFE800  }
0x36: {  	[tilespmem:s19], [sflag:$0x5] =	stream.linear.gather @!p2 [hbm4b:s22+s19], $0x80, $0x38;
	[tilespmem:$0x2900] =	vst v63  }
0x37: {  	p1 =	sne.s32 s17, $0x5000;
	p0 =	por p2, p2;
	_ =	swait.ge @!p2 [sflag:s20], $0x80  }
0x38: {  	[sflag:s20] =	ssyncset.done @!p0 $0x0  }
0x39: {  	s16 =	sadd.s32 @!p0 s16, s9;
	s21 =	simm.s32 @!p0 $0x80;
	[sflag:s20] =	ssyncadd.s32 @!p0 $0xFFFFFF80  }
0x3a: {  	[tilespmem:s21], [sflag:$0x5] =	stream.linear.gather @!p0 [hbm4b:s16+s19], $0x80, $0x38;
	[tilespmem:$0x2900] =	vst v63  }
0x3b: {  	s16 =	smov.u32 s23;
	_ =	swait.ge @!p0 [sflag:s20], $0x80  }
0x3c: {  	[sflag:s20] =	ssyncset.done @!p0 $0x0  }
0x3d: {  	s22 =	simm.s32 @!p0 $0x100;
	[sflag:s20] =	ssyncadd.s32 @!p0 $0xFFFFFF80  }
0x3e: {  	[tilespmem:s22], [sflag:$0x1] =	stream.indirect.gather @!p0 [hbm4b:s4+s21], $0x10, s19, s21, $0xb8;
	[tilespmem:$0x2900] =	vst v63  }
0x3f: {  	s23 =	simm.s32 @!p0 $0x900  }
0x40: {  	[tilespmem:s23], [sflag:$0x2] =	stream.indirect.gather @!p0 [hbm4b:s5+s21], $0x10, s21, s21, $0xb8;
	[tilespmem:$0x2900] =	vst v63  }
0x41: {  	s24 =	simm.s32 @!p0 $0x1100;
	s25 =	simm.s32 @!p0 $0x1  }
0x42: {  	[tilespmem:s24], [sflag:$0x3] =	stream.indirect.gather @!p0 [hbm4b:s1+s21], $0x30, s21, s21, $0xb8;
	[tilespmem:$0x2900] =	vst v63  }
0x43: {  	_ =	swait.ge @!p0 [sflag:s25], $0x800  }
0x44: {  	[sflag:s25] =	ssyncset.done @!p0 $0x0  }
0x45: {  	s21 =	simm.s32 @!p0 $0x2;
	[sflag:s25] =	ssyncadd.s32 @!p0 $0xFFFFF800  }
0x46: {  	_ =	swait.ge @!p0 [sflag:s21], $0x800  }
0x47: {  	[sflag:s21] =	ssyncset.done @!p0 $0x0  }
0x48: {  	[sflag:s21] =	ssyncadd.s32 @!p0 $0xFFFFF800;
	s21 =	simm.s32 @!p0 $0x3  }
0x49: {  	_ =	swait.ge @!p0 [sflag:s21], $0x1800  }
0x4a: {  	[sflag:s21] =	ssyncset.done @!p0 $0x0  }
0x4b: {  	[sflag:s21] =	ssyncadd.s32 @!p0 $0xFFFFE800  }
0x4c: {  	[hbm4b:s15+s19] =	stream.linear.scatter @!p0 [tilespmem:s22], [sflag:$0x5], $0x800, $0x38;
	[tilespmem:$0x2900] =	vst v63  }
0x4d: {  	_ =	swait.ge @!p0 [sflag:s20], $0x800  }
0x4e: {  	[sflag:s20] =	ssyncset.done @!p0 $0x0  }
0x4f: {  	[sflag:s20] =	ssyncadd.s32 @!p0 $0xFFFFF800  }
0x50: {  	[hbm4b:s13+s19] =	stream.linear.scatter @!p0 [tilespmem:s23], [sflag:$0x5], $0x800, $0x38;
	[tilespmem:$0x2900] =	vst v63  }
.Ltmp0:
0x51: {  	_ =	swait.ge @!p0 [sflag:s20], $0x800;
	(pc) =	sbr.rel @p1 .LBB2_2-.Ltmp0, $4  }
0x52: {  	s15 =	sadd.s32 $0x2000, s15;
	s13 =	sadd.s32 $0x2000, s13;
	[sflag:s20] =	ssyncset.done @!p0 $0x0  }
0x53: {  	s18 =	sadd.s32 $0x20, s18;
	s21 =	simm.s32 @!p0 $0x4;
	[sflag:s20] =	ssyncadd.s32 @!p0 $0xFFFFF800  }
0x54: {  	[hbm4b:s14+s19] =	stream.linear.scatter @!p0 [tilespmem:s24], [sflag:$0x4], $0x1800, $0x38;
	[tilespmem:$0x2900] =	vst v63  }
0x55: {  	p2 =	sgt.u32 s18, $0x4E1;
	s14 =	sadd.s32 $0x6000, s14;
	_ =	swait.ge @!p0 [sflag:s21], $0x1800  }
0x56: {  	s17 =	sadd.s32 @!p2 s16, s10;
	[sflag:s21] =	ssyncset.done @!p0 $0x0  }
0x57: {  	s18 =	simm.s32 @!p2 $0x0;
	s19 =	simm.s32 @!p2 $0x5;
	[sflag:s21] =	ssyncadd.s32 @!p0 $0xFFFFE800  }
0x58: {  	[tilespmem:s18], [sflag:$0x5] =	stream.linear.gather @!p2 [hbm4b:s17+s18], $0x80, $0x38;
	[tilespmem:$0x2900] =	vst v63  }
0x59: {  	p0 =	por p2, p2;
	_ =	swait.ge @!p2 [sflag:s19], $0x80  }
0x5a: {  	[sflag:s19] =	ssyncset.done @!p0 $0x0  }
0x5b: {  	s16 =	sadd.s32 @!p0 s16, s9;
	s17 =	simm.s32 @!p0 $0x80;
	[sflag:s19] =	ssyncadd.s32 @!p0 $0xFFFFFF80  }
0x5c: {  	[tilespmem:s17], [sflag:$0x5] =	stream.linear.gather @!p0 [hbm4b:s16+s18], $0x80, $0x38;
	[tilespmem:$0x2900] =	vst v63  }
0x5d: {  	_ =	swait.ge @!p0 [sflag:s19], $0x80  }
0x5e: {  	[sflag:s19] =	ssyncset.done @!p0 $0x0  }
0x5f: {  	s16 =	simm.s32 @!p0 $0x100;
	[sflag:s19] =	ssyncadd.s32 @!p0 $0xFFFFFF80  }
0x60: {  	[tilespmem:s16], [sflag:$0x1] =	stream.indirect.gather @!p0 [hbm4b:s4+s17], $0x10, s18, s17, $0xb8;
	[tilespmem:$0x2900] =	vst v63  }
0x61: {  	s20 =	simm.s32 @!p0 $0x900  }
0x62: {  	[tilespmem:s20], [sflag:$0x2] =	stream.indirect.gather @!p0 [hbm4b:s5+s17], $0x10, s17, s17, $0xb8;
	[tilespmem:$0x2900] =	vst v63  }
0x63: {  	s21 =	simm.s32 @!p0 $0x1100;
	s22 =	simm.s32 @!p0 $0x1  }
0x64: {  	[tilespmem:s21], [sflag:$0x3] =	stream.indirect.gather @!p0 [hbm4b:s1+s17], $0x30, s17, s17, $0xb8;
	[tilespmem:$0x2900] =	vst v63  }
0x65: {  	_ =	swait.ge @!p0 [sflag:s22], $0x800  }
0x66: {  	[sflag:s22] =	ssyncset.done @!p0 $0x0  }
0x67: {  	s17 =	simm.s32 @!p0 $0x2;
	[sflag:s22] =	ssyncadd.s32 @!p0 $0xFFFFF800  }
0x68: {  	_ =	swait.ge @!p0 [sflag:s17], $0x800  }
0x69: {  	[sflag:s17] =	ssyncset.done @!p0 $0x0  }
0x6a: {  	[sflag:s17] =	ssyncadd.s32 @!p0 $0xFFFFF800;
	s17 =	simm.s32 @!p0 $0x3  }
0x6b: {  	_ =	swait.ge @!p0 [sflag:s17], $0x1800  }
0x6c: {  	[sflag:s17] =	ssyncset.done @!p0 $0x0  }
0x6d: {  	[sflag:s17] =	ssyncadd.s32 @!p0 $0xFFFFE800  }
0x6e: {  	[hbm4b:s15+s18] =	stream.linear.scatter @!p0 [tilespmem:s16], [sflag:$0x5], $0x800, $0x38;
	[tilespmem:$0x2900] =	vst v63  }
0x6f: {  	_ =	swait.ge @!p0 [sflag:s19], $0x800  }
0x70: {  	[sflag:s19] =	ssyncset.done @!p0 $0x0  }
0x71: {  	[sflag:s19] =	ssyncadd.s32 @!p0 $0xFFFFF800  }
0x72: {  	[hbm4b:s13+s18] =	stream.linear.scatter @!p0 [tilespmem:s20], [sflag:$0x5], $0x800, $0x38;
	[tilespmem:$0x2900] =	vst v63  }
0x73: {  	s3 =	sadd.s32 $0x1, s3;
	_ =	swait.ge @!p0 [sflag:s19], $0x800  }
0x74: {  	p1 =	sne.s32 s3, s7;
	[sflag:s19] =	ssyncset.done @!p0 $0x0  }
.Ltmp1:
0x75: {  	s13 =	simm.s32 @!p0 $0x4;
	[sflag:s19] =	ssyncadd.s32 @!p0 $0xFFFFF800;
	(pc) =	sbr.rel @p1 .LBB2_1-.Ltmp1, $4  }
0x76: {  	[hbm4b:s14+s18] =	stream.linear.scatter @!p0 [tilespmem:s21], [sflag:$0x4], $0x1800, $0x38;
	[tilespmem:$0x2900] =	vst v63  }
0x77: {  	_ =	swait.ge @!p0 [sflag:s13], $0x1800  }
0x78: {  	[sflag:s13] =	ssyncset.done @!p0 $0x0  }
0x79: {  	[sflag:s13] =	ssyncadd.s32 @!p0 $0xFFFFE800  }
0x7a: {  	_ =	sfence.sel $0x180000  }
0x7b: {  	[bflag:$0x0] =	sbarrier.arrive $0xFFFF  }
0x7c: {  	p0 =	sne.s32 s2, $0x0;
	_ =	strace $0x90000047  }
0x7d: {  	s0 =	sadd.s32 @!p0 $0x100000, s0;
	[bflag:$0x2] =	sbarrier.arrive $0xFFFF  }
0x7e: {  	[sflag:s0] =	ssyncadd.tile.s32 @!p0 $0x1;
	_ =	shalt  }
.Lfunc_end2:
_tile_overlayer_lowered:
.L_overlay_start_2:
0x7f: {  	(tag) =	ssettag $0x2  }
0x80: {  	s0 =	rddreg [dreg:$0x0];
	s2 =	stileid.u32  }
0x81: {  	s1 =	rddreg [dreg:$0x1];
	p0 =	sne.s32 s2, $0x0  }
0x82: {  	s3 =	rddreg [dreg:$0x2];
	[bflag:$0x3] =	sbarrier.arrive $0xFFFF;
	s2 =	simm.s32 @!p0 $0x1C04  }
0x83: {  	[timem:s3], [sflag:s2] =	dma.local @!p0 [hbm:s0], s1  }
0x84: {  	s0 =	simm.s32 @!p0 $0x4  }
0x85: {  	_ =	swait.ge @!p0 [sflag:s0], s1  }
0x86: {  	s1 =	ssub.s32 @!p0 $0x0, s1;
	[sflag:s0] =	ssyncset.done @!p0 $0x0  }
0x87: {  	[sflag:s0] =	ssyncadd.s32 @!p0 s1  }
0x88: {  	[bflag:$0x3] =	sbarrier.arrive $0xFFFF  }
0x89: {  	_ =	shalt  }

</sc_bundles>
